<compile_context>
chip_gen: v7x
topology: tpu7x:2x2x1
jax: 0.10.2.dev20260603
libtpu: 0.0.44.dev20260713+nightly
codegen_flags: <defaults>
</compile_context>

<pallas_src>
import functools

import jax
import jax.numpy as jnp
from jax import lax
from jax.experimental import pallas as pl
from jax.experimental.pallas import tpu as pltpu
from jax.experimental.pallas import tpu_sc as plsc

_NUM_CORES = 2
_NUM_SUBCORES = 16
_NW = _NUM_CORES * _NUM_SUBCORES
_IPS = 100
_NBUF = 8


def _gather_body(nstream, n_tok, idx_hbm, table_hbm, out_hbm, idx_v, *scratch):
    slots = scratch[:_NBUF]
    gsem = scratch[_NBUF:2 * _NBUF]
    osem = scratch[2 * _NBUF:3 * _NBUF]
    wid = lax.axis_index("s") * _NUM_CORES + lax.axis_index("c")
    pltpu.sync_copy(idx_hbm.at[wid], idx_v)
    rows_per_stream = _IPS // n_tok
    base_row = wid * nstream * rows_per_stream

    def g_descr(j, b):
        return table_hbm.at[idx_v.at[j]], slots[b]

    def o_descr(j, r, b):
        src = slots[b].at[pl.ds(r * n_tok, n_tok)]
        dst = out_hbm.at[base_row + j * rows_per_stream + r]
        return src, dst

    def fire_gather(j, b):
        src, dst = g_descr(j, b)
        pltpu.async_copy(src, dst, gsem[b])

    def wait_gather(j, b):
        src, dst = g_descr(j, b)
        pltpu.make_async_copy(src, dst, gsem[b]).wait()

    def fire_outs(j, b):
        for r in range(rows_per_stream):
            src, dst = o_descr(j, r, b)
            pltpu.async_copy(src, dst, osem[b])

    def wait_outs(j, b):
        for r in range(rows_per_stream):
            src, dst = o_descr(j, r, b)
            pltpu.make_async_copy(src, dst, osem[b]).wait()

    for b in range(_NBUF - 1):
        fire_gather(b, b)

    def step(i, carry):
        for b in range(_NBUF):
            j = i * _NBUF + b
            bp = (b - 1) % _NBUF
            jn = j + _NBUF - 1

            @pl.when(j > 0)
            def _():
                wait_outs(j - 1, bp)

            @pl.when(jn < nstream)
            def _():
                fire_gather(jn, bp)

            wait_gather(j, b)
            fire_outs(j, b)
        return carry

    lax.fori_loop(0, nstream // _NBUF, step, 0)
    wait_outs(nstream - 1, (nstream - 1) % _NBUF)


@functools.partial(jax.jit, static_argnums=(2, 3, 4))
def _gather(idx, table, n_batch, n_tok, d):
    nstream = n_batch * n_tok // _NW // _IPS
    mesh = plsc.VectorSubcoreMesh(core_axis_name="c", subcore_axis_name="s")
    f = pl.kernel(
        functools.partial(_gather_body, nstream, n_tok),
        out_type=jax.ShapeDtypeStruct((n_batch, n_tok, d), jnp.float32),
        mesh=mesh,
        scratch_types=(
            [pltpu.VMEM((nstream, _IPS), jnp.int32)]
            + [pltpu.VMEM((_IPS, d), jnp.float32)] * _NBUF
            + [pltpu.SemaphoreType.DMA] * (2 * _NBUF)
        ),
    )
    return f(idx, table)


def kernel(token_ids, embedding):
    n_batch, n_tok = token_ids.shape
    d = embedding.shape[1]
    nstream = n_batch * n_tok // _NW // _IPS
    idx = token_ids.reshape(_NW, nstream, _IPS).astype(jnp.int32)
    return _gather(idx, embedding, n_batch, n_tok, d)

# --- scband reference (transcript-rebuilt; emitter-appended) ---
"""Pipeline reference for scband-embedding-59261958750960 (READ-ONLY COPY).

The authoritative reference and input builder live on the scoring server;
editing this copy changes nothing except your own understanding.
"""

import jax, jax.numpy as jnp
import numpy as np

NUM_EMBEDDINGS = 100000
EMBEDDING_DIM = 128

def setup_inputs(seed: int = 0) -> dict:
    key = jax.random.key(seed)
    k_idx, k_emb = jax.random.split(key)
    token_ids = jax.random.randint(k_idx, (4096, 50), 0, NUM_EMBEDDINGS, dtype=jnp.int64 if jax.config.read('jax_enable_x64') else jnp.int32)
    # truncated normal init (mean=0, std=1, a=-3, b=3)
    embedding = jax.random.truncated_normal(k_emb, -3.0, 3.0, (NUM_EMBEDDINGS, EMBEDDING_DIM), dtype=jnp.float32)
    return {"token_ids": token_ids, "embedding": embedding}

def reference(token_ids, embedding):
    # Faithful translation of: return self.embedding[token_ids]
    return jnp.take(embedding, token_ids, axis=0)

if __name__ == "__main__":
    import jax
    _d = setup_inputs()
    print(jax.jit(kernel)(*tuple(_d.values())))

</pallas_src>

<mosaic_0001>
#map = affine_map<(d0, d1) -> (0, 0, 0)>
#map1 = affine_map<(d0, d1) -> (0, 0)>
module attributes {stable_mosaic.version = 14 : i64} {
  func.func @_gather_body(%arg0: i32, %arg1: i32, %arg2: memref<32x64x100xi32, #tpu.memory_space<hbm>>, %arg3: memref<100000x128xf32, #tpu.memory_space<hbm>>, %arg4: memref<4096x50x128xf32, #tpu.memory_space<hbm>>, %arg5: memref<64x100xi32, #tpu.memory_space<vmem>>, %arg6: memref<100x128xf32, #tpu.memory_space<vmem>>, %arg7: memref<100x128xf32, #tpu.memory_space<vmem>>, %arg8: memref<100x128xf32, #tpu.memory_space<vmem>>, %arg9: memref<100x128xf32, #tpu.memory_space<vmem>>, %arg10: memref<100x128xf32, #tpu.memory_space<vmem>>, %arg11: memref<100x128xf32, #tpu.memory_space<vmem>>, %arg12: memref<100x128xf32, #tpu.memory_space<vmem>>, %arg13: memref<100x128xf32, #tpu.memory_space<vmem>>, %arg14: memref<!tpu.dma_semaphore, #tpu.memory_space<semaphore_mem>>, %arg15: memref<!tpu.dma_semaphore, #tpu.memory_space<semaphore_mem>>, %arg16: memref<!tpu.dma_semaphore, #tpu.memory_space<semaphore_mem>>, %arg17: memref<!tpu.dma_semaphore, #tpu.memory_space<semaphore_mem>>, %arg18: memref<!tpu.dma_semaphore, #tpu.memory_space<semaphore_mem>>, %arg19: memref<!tpu.dma_semaphore, #tpu.memory_space<semaphore_mem>>, %arg20: memref<!tpu.dma_semaphore, #tpu.memory_space<semaphore_mem>>, %arg21: memref<!tpu.dma_semaphore, #tpu.memory_space<semaphore_mem>>, %arg22: memref<!tpu.dma_semaphore, #tpu.memory_space<semaphore_mem>>, %arg23: memref<!tpu.dma_semaphore, #tpu.memory_space<semaphore_mem>>, %arg24: memref<!tpu.dma_semaphore, #tpu.memory_space<semaphore_mem>>, %arg25: memref<!tpu.dma_semaphore, #tpu.memory_space<semaphore_mem>>, %arg26: memref<!tpu.dma_semaphore, #tpu.memory_space<semaphore_mem>>, %arg27: memref<!tpu.dma_semaphore, #tpu.memory_space<semaphore_mem>>, %arg28: memref<!tpu.dma_semaphore, #tpu.memory_space<semaphore_mem>>, %arg29: memref<!tpu.dma_semaphore, #tpu.memory_space<semaphore_mem>>) attributes {dimension_semantics = [#tpu.dimension_semantics<core_parallel>, #tpu.dimension_semantics<subcore_parallel>], iteration_bounds = array<i64: 2, 16>, scalar_prefetch = 0 : i64, scratch_operands = 25 : i64, tpu.core_type = #tpu.core_type<sc_vector_subcore>, window_params = [{transform_indices = #map}, {transform_indices = #map1}, {transform_indices = #map}]} {
    %mul3A = arith.constant 2 : i32
    %mul3A_0 = arith.muli %arg1, %mul3A : i32
    %add3A = arith.addi %mul3A_0, %arg0 : i32
    "tpu.region"() ({
      %run_scoped3A = tpu.sem_alloc : memref<!tpu.dma_semaphore, #tpu.memory_space<semaphore_mem>>
      %dma_start3A_93 = arith.constant 0 : i32
      %dma_start3A_94 = arith.constant 0 : i32
      %dma_start3A_95 = tpu.memref_slice %arg2[%add3A, %dma_start3A_93, %dma_start3A_94] : memref<32x64x100xi32, #tpu.memory_space<hbm>> -> memref<1x64x100xi32, #tpu.memory_space<hbm>>
      %dma_start3A_96 = tpu.memref_squeeze %dma_start3A_95 : memref<1x64x100xi32, #tpu.memory_space<hbm>> -> memref<64x100xi32, #tpu.memory_space<hbm>>
      %dma_start3A_97 = arith.constant 0 : i32
      %dma_start3A_98 = arith.constant 0 : i32
      %dma_start3A_99 = tpu.memref_slice %arg2[%add3A, %dma_start3A_97, %dma_start3A_98] : memref<32x64x100xi32, #tpu.memory_space<hbm>> -> memref<1x64x100xi32, #tpu.memory_space<hbm>>
      %dma_start3A_100 = tpu.memref_squeeze %dma_start3A_99 : memref<1x64x100xi32, #tpu.memory_space<hbm>> -> memref<64x100xi32, #tpu.memory_space<hbm>>
      tpu.enqueue_dma source(%dma_start3A_100 : memref<64x100xi32, #tpu.memory_space<hbm>>) target(%arg5 : memref<64x100xi32, #tpu.memory_space<vmem>>) target_semaphore(%run_scoped3A : memref<!tpu.dma_semaphore, #tpu.memory_space<semaphore_mem>>)
      %dma_wait3A_101 = arith.constant 0 : i32
      %dma_wait3A_102 = arith.constant 0 : i32
      %dma_wait3A_103 = tpu.memref_slice %arg2[%add3A, %dma_wait3A_101, %dma_wait3A_102] : memref<32x64x100xi32, #tpu.memory_space<hbm>> -> memref<1x64x100xi32, #tpu.memory_space<hbm>>
      %dma_wait3A_104 = tpu.memref_squeeze %dma_wait3A_103 : memref<1x64x100xi32, #tpu.memory_space<hbm>> -> memref<64x100xi32, #tpu.memory_space<hbm>>
      %dma_wait3A_105 = arith.constant 0 : i32
      %dma_wait3A_106 = arith.constant 0 : i32
      %dma_wait3A_107 = tpu.memref_slice %arg2[%add3A, %dma_wait3A_105, %dma_wait3A_106] : memref<32x64x100xi32, #tpu.memory_space<hbm>> -> memref<1x64x100xi32, #tpu.memory_space<hbm>>
      %dma_wait3A_108 = tpu.memref_squeeze %dma_wait3A_107 : memref<1x64x100xi32, #tpu.memory_space<hbm>> -> memref<64x100xi32, #tpu.memory_space<hbm>>
      tpu.wait_dma2 semaphore(%run_scoped3A : memref<!tpu.dma_semaphore, #tpu.memory_space<semaphore_mem>>) src(%dma_wait3A_108 : memref<64x100xi32, #tpu.memory_space<hbm>>) dst(%arg5 : memref<64x100xi32, #tpu.memory_space<vmem>>)
      tpu.yield
    }) : () -> ()
    %mul3A_1 = arith.constant 64 : i32
    %mul3A_2 = arith.muli %add3A, %mul3A_1 : i32
    %mul3A_3 = arith.constant 2 : i32
    %mul3A_4 = arith.muli %mul3A_2, %mul3A_3 : i32
    %dma_start3A = arith.constant 0 : i32
    %dma_start3A_5 = arith.constant 0 : i32
    %dma_start3A_6 = tpu.memref_slice %arg5[%dma_start3A, %dma_start3A_5] : memref<64x100xi32, #tpu.memory_space<vmem>> -> memref<1x100xi32, #tpu.memory_space<vmem>>
    %dma_start3A_7 = tpu.memref_squeeze %dma_start3A_6 : memref<1x100xi32, #tpu.memory_space<vmem>> -> memref<100xi32, #tpu.memory_space<vmem>>
    %dma_start3A_8 = arith.constant 0 : i32
    %dma_start3A_9 = arith.constant 0 : i32
    %dma_start3A_10 = tpu.memref_slice %arg3[%dma_start3A_8, %dma_start3A_9] : memref<100000x128xf32, #tpu.memory_space<hbm>> -> memref<100000x128xf32, #tpu.memory_space<hbm>>
    tpu.enqueue_indirect_dma source(%dma_start3A_10 : memref<100000x128xf32, #tpu.memory_space<hbm>>) target(%arg6 : memref<100x128xf32, #tpu.memory_space<vmem>>) offsets(%dma_start3A_7 : memref<100xi32, #tpu.memory_space<vmem>>) semaphore(%arg14 : memref<!tpu.dma_semaphore, #tpu.memory_space<semaphore_mem>>)
    %dma_start3A_11 = arith.constant 1 : i32
    %dma_start3A_12 = arith.constant 0 : i32
    %dma_start3A_13 = tpu.memref_slice %arg5[%dma_start3A_11, %dma_start3A_12] : memref<64x100xi32, #tpu.memory_space<vmem>> -> memref<1x100xi32, #tpu.memory_space<vmem>>
    %dma_start3A_14 = tpu.memref_squeeze %dma_start3A_13 : memref<1x100xi32, #tpu.memory_space<vmem>> -> memref<100xi32, #tpu.memory_space<vmem>>
    %dma_start3A_15 = arith.constant 0 : i32
    %dma_start3A_16 = arith.constant 0 : i32
    %dma_start3A_17 = tpu.memref_slice %arg3[%dma_start3A_15, %dma_start3A_16] : memref<100000x128xf32, #tpu.memory_space<hbm>> -> memref<100000x128xf32, #tpu.memory_space<hbm>>
    tpu.enqueue_indirect_dma source(%dma_start3A_17 : memref<100000x128xf32, #tpu.memory_space<hbm>>) target(%arg7 : memref<100x128xf32, #tpu.memory_space<vmem>>) offsets(%dma_start3A_14 : memref<100xi32, #tpu.memory_space<vmem>>) semaphore(%arg15 : memref<!tpu.dma_semaphore, #tpu.memory_space<semaphore_mem>>)
    %dma_start3A_18 = arith.constant 2 : i32
    %dma_start3A_19 = arith.constant 0 : i32
    %dma_start3A_20 = tpu.memref_slice %arg5[%dma_start3A_18, %dma_start3A_19] : memref<64x100xi32, #tpu.memory_space<vmem>> -> memref<1x100xi32, #tpu.memory_space<vmem>>
    %dma_start3A_21 = tpu.memref_squeeze %dma_start3A_20 : memref<1x100xi32, #tpu.memory_space<vmem>> -> memref<100xi32, #tpu.memory_space<vmem>>
    %dma_start3A_22 = arith.constant 0 : i32
    %dma_start3A_23 = arith.constant 0 : i32
    %dma_start3A_24 = tpu.memref_slice %arg3[%dma_start3A_22, %dma_start3A_23] : memref<100000x128xf32, #tpu.memory_space<hbm>> -> memref<100000x128xf32, #tpu.memory_space<hbm>>
    tpu.enqueue_indirect_dma source(%dma_start3A_24 : memref<100000x128xf32, #tpu.memory_space<hbm>>) target(%arg8 : memref<100x128xf32, #tpu.memory_space<vmem>>) offsets(%dma_start3A_21 : memref<100xi32, #tpu.memory_space<vmem>>) semaphore(%arg16 : memref<!tpu.dma_semaphore, #tpu.memory_space<semaphore_mem>>)
    %dma_start3A_25 = arith.constant 3 : i32
    %dma_start3A_26 = arith.constant 0 : i32
    %dma_start3A_27 = tpu.memref_slice %arg5[%dma_start3A_25, %dma_start3A_26] : memref<64x100xi32, #tpu.memory_space<vmem>> -> memref<1x100xi32, #tpu.memory_space<vmem>>
    %dma_start3A_28 = tpu.memref_squeeze %dma_start3A_27 : memref<1x100xi32, #tpu.memory_space<vmem>> -> memref<100xi32, #tpu.memory_space<vmem>>
    %dma_start3A_29 = arith.constant 0 : i32
    %dma_start3A_30 = arith.constant 0 : i32
    %dma_start3A_31 = tpu.memref_slice %arg3[%dma_start3A_29, %dma_start3A_30] : memref<100000x128xf32, #tpu.memory_space<hbm>> -> memref<100000x128xf32, #tpu.memory_space<hbm>>
    tpu.enqueue_indirect_dma source(%dma_start3A_31 : memref<100000x128xf32, #tpu.memory_space<hbm>>) target(%arg9 : memref<100x128xf32, #tpu.memory_space<vmem>>) offsets(%dma_start3A_28 : memref<100xi32, #tpu.memory_space<vmem>>) semaphore(%arg17 : memref<!tpu.dma_semaphore, #tpu.memory_space<semaphore_mem>>)
    %dma_start3A_32 = arith.constant 4 : i32
    %dma_start3A_33 = arith.constant 0 : i32
    %dma_start3A_34 = tpu.memref_slice %arg5[%dma_start3A_32, %dma_start3A_33] : memref<64x100xi32, #tpu.memory_space<vmem>> -> memref<1x100xi32, #tpu.memory_space<vmem>>
    %dma_start3A_35 = tpu.memref_squeeze %dma_start3A_34 : memref<1x100xi32, #tpu.memory_space<vmem>> -> memref<100xi32, #tpu.memory_space<vmem>>
    %dma_start3A_36 = arith.constant 0 : i32
    %dma_start3A_37 = arith.constant 0 : i32
    %dma_start3A_38 = tpu.memref_slice %arg3[%dma_start3A_36, %dma_start3A_37] : memref<100000x128xf32, #tpu.memory_space<hbm>> -> memref<100000x128xf32, #tpu.memory_space<hbm>>
    tpu.enqueue_indirect_dma source(%dma_start3A_38 : memref<100000x128xf32, #tpu.memory_space<hbm>>) target(%arg10 : memref<100x128xf32, #tpu.memory_space<vmem>>) offsets(%dma_start3A_35 : memref<100xi32, #tpu.memory_space<vmem>>) semaphore(%arg18 : memref<!tpu.dma_semaphore, #tpu.memory_space<semaphore_mem>>)
    %dma_start3A_39 = arith.constant 5 : i32
    %dma_start3A_40 = arith.constant 0 : i32
    %dma_start3A_41 = tpu.memref_slice %arg5[%dma_start3A_39, %dma_start3A_40] : memref<64x100xi32, #tpu.memory_space<vmem>> -> memref<1x100xi32, #tpu.memory_space<vmem>>
    %dma_start3A_42 = tpu.memref_squeeze %dma_start3A_41 : memref<1x100xi32, #tpu.memory_space<vmem>> -> memref<100xi32, #tpu.memory_space<vmem>>
    %dma_start3A_43 = arith.constant 0 : i32
    %dma_start3A_44 = arith.constant 0 : i32
    %dma_start3A_45 = tpu.memref_slice %arg3[%dma_start3A_43, %dma_start3A_44] : memref<100000x128xf32, #tpu.memory_space<hbm>> -> memref<100000x128xf32, #tpu.memory_space<hbm>>
    tpu.enqueue_indirect_dma source(%dma_start3A_45 : memref<100000x128xf32, #tpu.memory_space<hbm>>) target(%arg11 : memref<100x128xf32, #tpu.memory_space<vmem>>) offsets(%dma_start3A_42 : memref<100xi32, #tpu.memory_space<vmem>>) semaphore(%arg19 : memref<!tpu.dma_semaphore, #tpu.memory_space<semaphore_mem>>)
    %dma_start3A_46 = arith.constant 6 : i32
    %dma_start3A_47 = arith.constant 0 : i32
    %dma_start3A_48 = tpu.memref_slice %arg5[%dma_start3A_46, %dma_start3A_47] : memref<64x100xi32, #tpu.memory_space<vmem>> -> memref<1x100xi32, #tpu.memory_space<vmem>>
    %dma_start3A_49 = tpu.memref_squeeze %dma_start3A_48 : memref<1x100xi32, #tpu.memory_space<vmem>> -> memref<100xi32, #tpu.memory_space<vmem>>
    %dma_start3A_50 = arith.constant 0 : i32
    %dma_start3A_51 = arith.constant 0 : i32
    %dma_start3A_52 = tpu.memref_slice %arg3[%dma_start3A_50, %dma_start3A_51] : memref<100000x128xf32, #tpu.memory_space<hbm>> -> memref<100000x128xf32, #tpu.memory_space<hbm>>
    tpu.enqueue_indirect_dma source(%dma_start3A_52 : memref<100000x128xf32, #tpu.memory_space<hbm>>) target(%arg12 : memref<100x128xf32, #tpu.memory_space<vmem>>) offsets(%dma_start3A_49 : memref<100xi32, #tpu.memory_space<vmem>>) semaphore(%arg20 : memref<!tpu.dma_semaphore, #tpu.memory_space<semaphore_mem>>)
    %scan3A = arith.constant 0 : i32
    %scan3A_53 = arith.constant 0 : i32
    %scan3A_54 = arith.constant 8 : i32
    %scan3A_55 = arith.addi %scan3A_53, %scan3A_54 : i32
    %scan3A_56 = arith.constant 1 : i32
    scf.for %scan3A_93 = %scan3A_53 to %scan3A_55 step %scan3A_56  : i32 {
      %mul3A_94 = arith.constant 8 : i32
      %mul3A_95 = arith.muli %scan3A_93, %mul3A_94 : i32
      %add3A_96 = arith.constant 0 : i32
      %add3A_97 = arith.addi %mul3A_95, %add3A_96 : i32
      %add3A_98 = arith.constant 8 : i32
      %add3A_99 = arith.addi %add3A_97, %add3A_98 : i32
      %sub3A = arith.constant 1 : i32
      %sub3A_100 = arith.subi %add3A_99, %sub3A : i32
      %gt3A = arith.constant 0 : i32
      %gt3A_101 = arith.cmpi sgt, %add3A_97, %gt3A : i32
      %convert_element_type3A = arith.extui %gt3A_101 : i1 to i32
      %cond3A = arith.constant 0 : i32
      %cond3A_102 = arith.cmpi ne, %convert_element_type3A, %cond3A : i32
      scf.if %cond3A_102 {
        %sub3A_585 = arith.constant 1 : i32
        %sub3A_586 = arith.subi %add3A_97, %sub3A_585 : i32
        %mul3A_587 = arith.constant 2 : i32
        %mul3A_588 = arith.muli %sub3A_586, %mul3A_587 : i32
        %add3A_589 = arith.addi %mul3A_4, %mul3A_588 : i32
        %add3A_590 = arith.constant 0 : i32
        %add3A_591 = arith.addi %add3A_589, %add3A_590 : i32
        %dma_wait3A_592 = arith.constant 0 : i32
        %dma_wait3A_593 = arith.constant 0 : i32
        %dma_wait3A_594 = tpu.memref_slice %arg13[%dma_wait3A_592, %dma_wait3A_593] : memref<100x128xf32, #tpu.memory_space<vmem>> -> memref<50x128xf32, #tpu.memory_space<vmem>>
        %dma_wait3A_595 = arith.constant 0 : i32
        %dma_wait3A_596 = arith.constant 0 : i32
        %dma_wait3A_597 = tpu.memref_slice %arg4[%add3A_591, %dma_wait3A_595, %dma_wait3A_596] : memref<4096x50x128xf32, #tpu.memory_space<hbm>> -> memref<1x50x128xf32, #tpu.memory_space<hbm>>
        %dma_wait3A_598 = tpu.memref_squeeze %dma_wait3A_597 : memref<1x50x128xf32, #tpu.memory_space<hbm>> -> memref<50x128xf32, #tpu.memory_space<hbm>>
        %dma_wait3A_599 = arith.constant 0 : i32
        %dma_wait3A_600 = arith.constant 0 : i32
        %dma_wait3A_601 = tpu.memref_slice %arg4[%add3A_591, %dma_wait3A_599, %dma_wait3A_600] : memref<4096x50x128xf32, #tpu.memory_space<hbm>> -> memref<1x50x128xf32, #tpu.memory_space<hbm>>
        %dma_wait3A_602 = tpu.memref_squeeze %dma_wait3A_601 : memref<1x50x128xf32, #tpu.memory_space<hbm>> -> memref<50x128xf32, #tpu.memory_space<hbm>>
        %dma_wait3A_603 = arith.constant 0 : i32
        %dma_wait3A_604 = arith.constant 0 : i32
        %dma_wait3A_605 = tpu.memref_slice %arg13[%dma_wait3A_603, %dma_wait3A_604] : memref<100x128xf32, #tpu.memory_space<vmem>> -> memref<50x128xf32, #tpu.memory_space<vmem>>
        tpu.wait_dma2 semaphore(%arg29 : memref<!tpu.dma_semaphore, #tpu.memory_space<semaphore_mem>>) src(%dma_wait3A_605 : memref<50x128xf32, #tpu.memory_space<vmem>>) dst(%dma_wait3A_602 : memref<50x128xf32, #tpu.memory_space<hbm>>)
        %mul3A_606 = arith.constant 2 : i32
        %mul3A_607 = arith.muli %sub3A_586, %mul3A_606 : i32
        %add3A_608 = arith.addi %mul3A_4, %mul3A_607 : i32
        %add3A_609 = arith.constant 1 : i32
        %add3A_610 = arith.addi %add3A_608, %add3A_609 : i32
        %dma_wait3A_611 = arith.constant 50 : i32
        %dma_wait3A_612 = arith.constant 0 : i32
        %dma_wait3A_613 = tpu.memref_slice %arg13[%dma_wait3A_611, %dma_wait3A_612] : memref<100x128xf32, #tpu.memory_space<vmem>> -> memref<50x128xf32, #tpu.memory_space<vmem>>
        %dma_wait3A_614 = arith.constant 0 : i32
        %dma_wait3A_615 = arith.constant 0 : i32
        %dma_wait3A_616 = tpu.memref_slice %arg4[%add3A_610, %dma_wait3A_614, %dma_wait3A_615] : memref<4096x50x128xf32, #tpu.memory_space<hbm>> -> memref<1x50x128xf32, #tpu.memory_space<hbm>>
        %dma_wait3A_617 = tpu.memref_squeeze %dma_wait3A_616 : memref<1x50x128xf32, #tpu.memory_space<hbm>> -> memref<50x128xf32, #tpu.memory_space<hbm>>
        %dma_wait3A_618 = arith.constant 0 : i32
        %dma_wait3A_619 = arith.constant 0 : i32
        %dma_wait3A_620 = tpu.memref_slice %arg4[%add3A_610, %dma_wait3A_618, %dma_wait3A_619] : memref<4096x50x128xf32, #tpu.memory_space<hbm>> -> memref<1x50x128xf32, #tpu.memory_space<hbm>>
        %dma_wait3A_621 = tpu.memref_squeeze %dma_wait3A_620 : memref<1x50x128xf32, #tpu.memory_space<hbm>> -> memref<50x128xf32, #tpu.memory_space<hbm>>
        %dma_wait3A_622 = arith.constant 50 : i32
        %dma_wait3A_623 = arith.constant 0 : i32
        %dma_wait3A_624 = tpu.memref_slice %arg13[%dma_wait3A_622, %dma_wait3A_623] : memref<100x128xf32, #tpu.memory_space<vmem>> -> memref<50x128xf32, #tpu.memory_space<vmem>>
        tpu.wait_dma2 semaphore(%arg29 : memref<!tpu.dma_semaphore, #tpu.memory_space<semaphore_mem>>) src(%dma_wait3A_624 : memref<50x128xf32, #tpu.memory_space<vmem>>) dst(%dma_wait3A_621 : memref<50x128xf32, #tpu.memory_space<hbm>>)
      } else {
      }
      %lt3A = arith.constant 64 : i32
      %lt3A_103 = arith.cmpi slt, %sub3A_100, %lt3A : i32
      %convert_element_type3A_104 = arith.extui %lt3A_103 : i1 to i32
      %cond3A_105 = arith.constant 0 : i32
      %cond3A_106 = arith.cmpi ne, %convert_element_type3A_104, %cond3A_105 : i32
      scf.if %cond3A_106 {
        %dma_start3A_585 = arith.constant 0 : i32
        %dma_start3A_586 = tpu.memref_slice %arg5[%sub3A_100, %dma_start3A_585] : memref<64x100xi32, #tpu.memory_space<vmem>> -> memref<1x100xi32, #tpu.memory_space<vmem>>
        %dma_start3A_587 = tpu.memref_squeeze %dma_start3A_586 : memref<1x100xi32, #tpu.memory_space<vmem>> -> memref<100xi32, #tpu.memory_space<vmem>>
        %dma_start3A_588 = arith.constant 0 : i32
        %dma_start3A_589 = arith.constant 0 : i32
        %dma_start3A_590 = tpu.memref_slice %arg3[%dma_start3A_588, %dma_start3A_589] : memref<100000x128xf32, #tpu.memory_space<hbm>> -> memref<100000x128xf32, #tpu.memory_space<hbm>>
        tpu.enqueue_indirect_dma source(%dma_start3A_590 : memref<100000x128xf32, #tpu.memory_space<hbm>>) target(%arg13 : memref<100x128xf32, #tpu.memory_space<vmem>>) offsets(%dma_start3A_587 : memref<100xi32, #tpu.memory_space<vmem>>) semaphore(%arg21 : memref<!tpu.dma_semaphore, #tpu.memory_space<semaphore_mem>>)
      } else {
      }
      %dma_wait3A_107 = arith.constant 0 : i32
      %dma_wait3A_108 = tpu.memref_slice %arg5[%add3A_97, %dma_wait3A_107] : memref<64x100xi32, #tpu.memory_space<vmem>> -> memref<1x100xi32, #tpu.memory_space<vmem>>
      %dma_wait3A_109 = tpu.memref_squeeze %dma_wait3A_108 : memref<1x100xi32, #tpu.memory_space<vmem>> -> memref<100xi32, #tpu.memory_space<vmem>>
      %dma_wait3A_110 = arith.constant 0 : i32
      %dma_wait3A_111 = arith.constant 0 : i32
      %dma_wait3A_112 = tpu.memref_slice %arg3[%dma_wait3A_110, %dma_wait3A_111] : memref<100000x128xf32, #tpu.memory_space<hbm>> -> memref<100000x128xf32, #tpu.memory_space<hbm>>
      tpu.wait_indirect_dma semaphore(%arg14 : memref<!tpu.dma_semaphore, #tpu.memory_space<semaphore_mem>>) src(%dma_wait3A_112 : memref<100000x128xf32, #tpu.memory_space<hbm>>) dst(%arg6 : memref<100x128xf32, #tpu.memory_space<vmem>>)
      %mul3A_113 = arith.constant 2 : i32
      %mul3A_114 = arith.muli %add3A_97, %mul3A_113 : i32
      %add3A_115 = arith.addi %mul3A_4, %mul3A_114 : i32
      %add3A_116 = arith.constant 0 : i32
      %add3A_117 = arith.addi %add3A_115, %add3A_116 : i32
      %dma_start3A_118 = arith.constant 0 : i32
      %dma_start3A_119 = arith.constant 0 : i32
      %dma_start3A_120 = tpu.memref_slice %arg6[%dma_start3A_118, %dma_start3A_119] : memref<100x128xf32, #tpu.memory_space<vmem>> -> memref<50x128xf32, #tpu.memory_space<vmem>>
      %dma_start3A_121 = arith.constant 0 : i32
      %dma_start3A_122 = arith.constant 0 : i32
      %dma_start3A_123 = tpu.memref_slice %arg4[%add3A_117, %dma_start3A_121, %dma_start3A_122] : memref<4096x50x128xf32, #tpu.memory_space<hbm>> -> memref<1x50x128xf32, #tpu.memory_space<hbm>>
      %dma_start3A_124 = tpu.memref_squeeze %dma_start3A_123 : memref<1x50x128xf32, #tpu.memory_space<hbm>> -> memref<50x128xf32, #tpu.memory_space<hbm>>
      %dma_start3A_125 = arith.constant 0 : i32
      %dma_start3A_126 = arith.constant 0 : i32
      %dma_start3A_127 = tpu.memref_slice %arg4[%add3A_117, %dma_start3A_125, %dma_start3A_126] : memref<4096x50x128xf32, #tpu.memory_space<hbm>> -> memref<1x50x128xf32, #tpu.memory_space<hbm>>
      %dma_start3A_128 = tpu.memref_squeeze %dma_start3A_127 : memref<1x50x128xf32, #tpu.memory_space<hbm>> -> memref<50x128xf32, #tpu.memory_space<hbm>>
      %dma_start3A_129 = arith.constant 0 : i32
      %dma_start3A_130 = arith.constant 0 : i32
      %dma_start3A_131 = tpu.memref_slice %arg6[%dma_start3A_129, %dma_start3A_130] : memref<100x128xf32, #tpu.memory_space<vmem>> -> memref<50x128xf32, #tpu.memory_space<vmem>>
      tpu.enqueue_dma source(%dma_start3A_131 : memref<50x128xf32, #tpu.memory_space<vmem>>) target(%dma_start3A_128 : memref<50x128xf32, #tpu.memory_space<hbm>>) target_semaphore(%arg22 : memref<!tpu.dma_semaphore, #tpu.memory_space<semaphore_mem>>)
      %mul3A_132 = arith.constant 2 : i32
      %mul3A_133 = arith.muli %add3A_97, %mul3A_132 : i32
      %add3A_134 = arith.addi %mul3A_4, %mul3A_133 : i32
      %add3A_135 = arith.constant 1 : i32
      %add3A_136 = arith.addi %add3A_134, %add3A_135 : i32
      %dma_start3A_137 = arith.constant 50 : i32
      %dma_start3A_138 = arith.constant 0 : i32
      %dma_start3A_139 = tpu.memref_slice %arg6[%dma_start3A_137, %dma_start3A_138] : memref<100x128xf32, #tpu.memory_space<vmem>> -> memref<50x128xf32, #tpu.memory_space<vmem>>
      %dma_start3A_140 = arith.constant 0 : i32
      %dma_start3A_141 = arith.constant 0 : i32
      %dma_start3A_142 = tpu.memref_slice %arg4[%add3A_136, %dma_start3A_140, %dma_start3A_141] : memref<4096x50x128xf32, #tpu.memory_space<hbm>> -> memref<1x50x128xf32, #tpu.memory_space<hbm>>
      %dma_start3A_143 = tpu.memref_squeeze %dma_start3A_142 : memref<1x50x128xf32, #tpu.memory_space<hbm>> -> memref<50x128xf32, #tpu.memory_space<hbm>>
      %dma_start3A_144 = arith.constant 0 : i32
      %dma_start3A_145 = arith.constant 0 : i32
      %dma_start3A_146 = tpu.memref_slice %arg4[%add3A_136, %dma_start3A_144, %dma_start3A_145] : memref<4096x50x128xf32, #tpu.memory_space<hbm>> -> memref<1x50x128xf32, #tpu.memory_space<hbm>>
      %dma_start3A_147 = tpu.memref_squeeze %dma_start3A_146 : memref<1x50x128xf32, #tpu.memory_space<hbm>> -> memref<50x128xf32, #tpu.memory_space<hbm>>
      %dma_start3A_148 = arith.constant 50 : i32
      %dma_start3A_149 = arith.constant 0 : i32
      %dma_start3A_150 = tpu.memref_slice %arg6[%dma_start3A_148, %dma_start3A_149] : memref<100x128xf32, #tpu.memory_space<vmem>> -> memref<50x128xf32, #tpu.memory_space<vmem>>
      tpu.enqueue_dma source(%dma_start3A_150 : memref<50x128xf32, #tpu.memory_space<vmem>>) target(%dma_start3A_147 : memref<50x128xf32, #tpu.memory_space<hbm>>) target_semaphore(%arg22 : memref<!tpu.dma_semaphore, #tpu.memory_space<semaphore_mem>>)
      %mul3A_151 = arith.constant 8 : i32
      %mul3A_152 = arith.muli %scan3A_93, %mul3A_151 : i32
      %add3A_153 = arith.constant 1 : i32
      %add3A_154 = arith.addi %mul3A_152, %add3A_153 : i32
      %add3A_155 = arith.constant 8 : i32
      %add3A_156 = arith.addi %add3A_154, %add3A_155 : i32
      %sub3A_157 = arith.constant 1 : i32
      %sub3A_158 = arith.subi %add3A_156, %sub3A_157 : i32
      %gt3A_159 = arith.constant 0 : i32
      %gt3A_160 = arith.cmpi sgt, %add3A_154, %gt3A_159 : i32
      %convert_element_type3A_161 = arith.extui %gt3A_160 : i1 to i32
      %cond3A_162 = arith.constant 0 : i32
      %cond3A_163 = arith.cmpi ne, %convert_element_type3A_161, %cond3A_162 : i32
      scf.if %cond3A_163 {
        %sub3A_585 = arith.constant 1 : i32
        %sub3A_586 = arith.subi %add3A_154, %sub3A_585 : i32
        %mul3A_587 = arith.constant 2 : i32
        %mul3A_588 = arith.muli %sub3A_586, %mul3A_587 : i32
        %add3A_589 = arith.addi %mul3A_4, %mul3A_588 : i32
        %add3A_590 = arith.constant 0 : i32
        %add3A_591 = arith.addi %add3A_589, %add3A_590 : i32
        %dma_wait3A_592 = arith.constant 0 : i32
        %dma_wait3A_593 = arith.constant 0 : i32
        %dma_wait3A_594 = tpu.memref_slice %arg6[%dma_wait3A_592, %dma_wait3A_593] : memref<100x128xf32, #tpu.memory_space<vmem>> -> memref<50x128xf32, #tpu.memory_space<vmem>>
        %dma_wait3A_595 = arith.constant 0 : i32
        %dma_wait3A_596 = arith.constant 0 : i32
        %dma_wait3A_597 = tpu.memref_slice %arg4[%add3A_591, %dma_wait3A_595, %dma_wait3A_596] : memref<4096x50x128xf32, #tpu.memory_space<hbm>> -> memref<1x50x128xf32, #tpu.memory_space<hbm>>
        %dma_wait3A_598 = tpu.memref_squeeze %dma_wait3A_597 : memref<1x50x128xf32, #tpu.memory_space<hbm>> -> memref<50x128xf32, #tpu.memory_space<hbm>>
        %dma_wait3A_599 = arith.constant 0 : i32
        %dma_wait3A_600 = arith.constant 0 : i32
        %dma_wait3A_601 = tpu.memref_slice %arg4[%add3A_591, %dma_wait3A_599, %dma_wait3A_600] : memref<4096x50x128xf32, #tpu.memory_space<hbm>> -> memref<1x50x128xf32, #tpu.memory_space<hbm>>
        %dma_wait3A_602 = tpu.memref_squeeze %dma_wait3A_601 : memref<1x50x128xf32, #tpu.memory_space<hbm>> -> memref<50x128xf32, #tpu.memory_space<hbm>>
        %dma_wait3A_603 = arith.constant 0 : i32
        %dma_wait3A_604 = arith.constant 0 : i32
        %dma_wait3A_605 = tpu.memref_slice %arg6[%dma_wait3A_603, %dma_wait3A_604] : memref<100x128xf32, #tpu.memory_space<vmem>> -> memref<50x128xf32, #tpu.memory_space<vmem>>
        tpu.wait_dma2 semaphore(%arg22 : memref<!tpu.dma_semaphore, #tpu.memory_space<semaphore_mem>>) src(%dma_wait3A_605 : memref<50x128xf32, #tpu.memory_space<vmem>>) dst(%dma_wait3A_602 : memref<50x128xf32, #tpu.memory_space<hbm>>)
        %mul3A_606 = arith.constant 2 : i32
        %mul3A_607 = arith.muli %sub3A_586, %mul3A_606 : i32
        %add3A_608 = arith.addi %mul3A_4, %mul3A_607 : i32
        %add3A_609 = arith.constant 1 : i32
        %add3A_610 = arith.addi %add3A_608, %add3A_609 : i32
        %dma_wait3A_611 = arith.constant 50 : i32
        %dma_wait3A_612 = arith.constant 0 : i32
        %dma_wait3A_613 = tpu.memref_slice %arg6[%dma_wait3A_611, %dma_wait3A_612] : memref<100x128xf32, #tpu.memory_space<vmem>> -> memref<50x128xf32, #tpu.memory_space<vmem>>
        %dma_wait3A_614 = arith.constant 0 : i32
        %dma_wait3A_615 = arith.constant 0 : i32
        %dma_wait3A_616 = tpu.memref_slice %arg4[%add3A_610, %dma_wait3A_614, %dma_wait3A_615] : memref<4096x50x128xf32, #tpu.memory_space<hbm>> -> memref<1x50x128xf32, #tpu.memory_space<hbm>>
        %dma_wait3A_617 = tpu.memref_squeeze %dma_wait3A_616 : memref<1x50x128xf32, #tpu.memory_space<hbm>> -> memref<50x128xf32, #tpu.memory_space<hbm>>
        %dma_wait3A_618 = arith.constant 0 : i32
        %dma_wait3A_619 = arith.constant 0 : i32
        %dma_wait3A_620 = tpu.memref_slice %arg4[%add3A_610, %dma_wait3A_618, %dma_wait3A_619] : memref<4096x50x128xf32, #tpu.memory_space<hbm>> -> memref<1x50x128xf32, #tpu.memory_space<hbm>>
        %dma_wait3A_621 = tpu.memref_squeeze %dma_wait3A_620 : memref<1x50x128xf32, #tpu.memory_space<hbm>> -> memref<50x128xf32, #tpu.memory_space<hbm>>
        %dma_wait3A_622 = arith.constant 50 : i32
        %dma_wait3A_623 = arith.constant 0 : i32
        %dma_wait3A_624 = tpu.memref_slice %arg6[%dma_wait3A_622, %dma_wait3A_623] : memref<100x128xf32, #tpu.memory_space<vmem>> -> memref<50x128xf32, #tpu.memory_space<vmem>>
        tpu.wait_dma2 semaphore(%arg22 : memref<!tpu.dma_semaphore, #tpu.memory_space<semaphore_mem>>) src(%dma_wait3A_624 : memref<50x128xf32, #tpu.memory_space<vmem>>) dst(%dma_wait3A_621 : memref<50x128xf32, #tpu.memory_space<hbm>>)
      } else {
      }
      %lt3A_164 = arith.constant 64 : i32
      %lt3A_165 = arith.cmpi slt, %sub3A_158, %lt3A_164 : i32
      %convert_element_type3A_166 = arith.extui %lt3A_165 : i1 to i32
      %cond3A_167 = arith.constant 0 : i32
      %cond3A_168 = arith.cmpi ne, %convert_element_type3A_166, %cond3A_167 : i32
      scf.if %cond3A_168 {
        %dma_start3A_585 = arith.constant 0 : i32
        %dma_start3A_586 = tpu.memref_slice %arg5[%sub3A_158, %dma_start3A_585] : memref<64x100xi32, #tpu.memory_space<vmem>> -> memref<1x100xi32, #tpu.memory_space<vmem>>
        %dma_start3A_587 = tpu.memref_squeeze %dma_start3A_586 : memref<1x100xi32, #tpu.memory_space<vmem>> -> memref<100xi32, #tpu.memory_space<vmem>>
        %dma_start3A_588 = arith.constant 0 : i32
        %dma_start3A_589 = arith.constant 0 : i32
        %dma_start3A_590 = tpu.memref_slice %arg3[%dma_start3A_588, %dma_start3A_589] : memref<100000x128xf32, #tpu.memory_space<hbm>> -> memref<100000x128xf32, #tpu.memory_space<hbm>>
        tpu.enqueue_indirect_dma source(%dma_start3A_590 : memref<100000x128xf32, #tpu.memory_space<hbm>>) target(%arg6 : memref<100x128xf32, #tpu.memory_space<vmem>>) offsets(%dma_start3A_587 : memref<100xi32, #tpu.memory_space<vmem>>) semaphore(%arg14 : memref<!tpu.dma_semaphore, #tpu.memory_space<semaphore_mem>>)
      } else {
      }
      %dma_wait3A_169 = arith.constant 0 : i32
      %dma_wait3A_170 = tpu.memref_slice %arg5[%add3A_154, %dma_wait3A_169] : memref<64x100xi32, #tpu.memory_space<vmem>> -> memref<1x100xi32, #tpu.memory_space<vmem>>
      %dma_wait3A_171 = tpu.memref_squeeze %dma_wait3A_170 : memref<1x100xi32, #tpu.memory_space<vmem>> -> memref<100xi32, #tpu.memory_space<vmem>>
      %dma_wait3A_172 = arith.constant 0 : i32
      %dma_wait3A_173 = arith.constant 0 : i32
      %dma_wait3A_174 = tpu.memref_slice %arg3[%dma_wait3A_172, %dma_wait3A_173] : memref<100000x128xf32, #tpu.memory_space<hbm>> -> memref<100000x128xf32, #tpu.memory_space<hbm>>
      tpu.wait_indirect_dma semaphore(%arg15 : memref<!tpu.dma_semaphore, #tpu.memory_space<semaphore_mem>>) src(%dma_wait3A_174 : memref<100000x128xf32, #tpu.memory_space<hbm>>) dst(%arg7 : memref<100x128xf32, #tpu.memory_space<vmem>>)
      %mul3A_175 = arith.constant 2 : i32
      %mul3A_176 = arith.muli %add3A_154, %mul3A_175 : i32
      %add3A_177 = arith.addi %mul3A_4, %mul3A_176 : i32
      %add3A_178 = arith.constant 0 : i32
      %add3A_179 = arith.addi %add3A_177, %add3A_178 : i32
      %dma_start3A_180 = arith.constant 0 : i32
      %dma_start3A_181 = arith.constant 0 : i32
      %dma_start3A_182 = tpu.memref_slice %arg7[%dma_start3A_180, %dma_start3A_181] : memref<100x128xf32, #tpu.memory_space<vmem>> -> memref<50x128xf32, #tpu.memory_space<vmem>>
      %dma_start3A_183 = arith.constant 0 : i32
      %dma_start3A_184 = arith.constant 0 : i32
      %dma_start3A_185 = tpu.memref_slice %arg4[%add3A_179, %dma_start3A_183, %dma_start3A_184] : memref<4096x50x128xf32, #tpu.memory_space<hbm>> -> memref<1x50x128xf32, #tpu.memory_space<hbm>>
      %dma_start3A_186 = tpu.memref_squeeze %dma_start3A_185 : memref<1x50x128xf32, #tpu.memory_space<hbm>> -> memref<50x128xf32, #tpu.memory_space<hbm>>
      %dma_start3A_187 = arith.constant 0 : i32
      %dma_start3A_188 = arith.constant 0 : i32
      %dma_start3A_189 = tpu.memref_slice %arg4[%add3A_179, %dma_start3A_187, %dma_start3A_188] : memref<4096x50x128xf32, #tpu.memory_space<hbm>> -> memref<1x50x128xf32, #tpu.memory_space<hbm>>
      %dma_start3A_190 = tpu.memref_squeeze %dma_start3A_189 : memref<1x50x128xf32, #tpu.memory_space<hbm>> -> memref<50x128xf32, #tpu.memory_space<hbm>>
      %dma_start3A_191 = arith.constant 0 : i32
      %dma_start3A_192 = arith.constant 0 : i32
      %dma_start3A_193 = tpu.memref_slice %arg7[%dma_start3A_191, %dma_start3A_192] : memref<100x128xf32, #tpu.memory_space<vmem>> -> memref<50x128xf32, #tpu.memory_space<vmem>>
      tpu.enqueue_dma source(%dma_start3A_193 : memref<50x128xf32, #tpu.memory_space<vmem>>) target(%dma_start3A_190 : memref<50x128xf32, #tpu.memory_space<hbm>>) target_semaphore(%arg23 : memref<!tpu.dma_semaphore, #tpu.memory_space<semaphore_mem>>)
      %mul3A_194 = arith.constant 2 : i32
      %mul3A_195 = arith.muli %add3A_154, %mul3A_194 : i32
      %add3A_196 = arith.addi %mul3A_4, %mul3A_195 : i32
      %add3A_197 = arith.constant 1 : i32
      %add3A_198 = arith.addi %add3A_196, %add3A_197 : i32
      %dma_start3A_199 = arith.constant 50 : i32
      %dma_start3A_200 = arith.constant 0 : i32
      %dma_start3A_201 = tpu.memref_slice %arg7[%dma_start3A_199, %dma_start3A_200] : memref<100x128xf32, #tpu.memory_space<vmem>> -> memref<50x128xf32, #tpu.memory_space<vmem>>
      %dma_start3A_202 = arith.constant 0 : i32
      %dma_start3A_203 = arith.constant 0 : i32
      %dma_start3A_204 = tpu.memref_slice %arg4[%add3A_198, %dma_start3A_202, %dma_start3A_203] : memref<4096x50x128xf32, #tpu.memory_space<hbm>> -> memref<1x50x128xf32, #tpu.memory_space<hbm>>
      %dma_start3A_205 = tpu.memref_squeeze %dma_start3A_204 : memref<1x50x128xf32, #tpu.memory_space<hbm>> -> memref<50x128xf32, #tpu.memory_space<hbm>>
      %dma_start3A_206 = arith.constant 0 : i32
      %dma_start3A_207 = arith.constant 0 : i32
      %dma_start3A_208 = tpu.memref_slice %arg4[%add3A_198, %dma_start3A_206, %dma_start3A_207] : memref<4096x50x128xf32, #tpu.memory_space<hbm>> -> memref<1x50x128xf32, #tpu.memory_space<hbm>>
      %dma_start3A_209 = tpu.memref_squeeze %dma_start3A_208 : memref<1x50x128xf32, #tpu.memory_space<hbm>> -> memref<50x128xf32, #tpu.memory_space<hbm>>
      %dma_start3A_210 = arith.constant 50 : i32
      %dma_start3A_211 = arith.constant 0 : i32
      %dma_start3A_212 = tpu.memref_slice %arg7[%dma_start3A_210, %dma_start3A_211] : memref<100x128xf32, #tpu.memory_space<vmem>> -> memref<50x128xf32, #tpu.memory_space<vmem>>
      tpu.enqueue_dma source(%dma_start3A_212 : memref<50x128xf32, #tpu.memory_space<vmem>>) target(%dma_start3A_209 : memref<50x128xf32, #tpu.memory_space<hbm>>) target_semaphore(%arg23 : memref<!tpu.dma_semaphore, #tpu.memory_space<semaphore_mem>>)
      %mul3A_213 = arith.constant 8 : i32
      %mul3A_214 = arith.muli %scan3A_93, %mul3A_213 : i32
      %add3A_215 = arith.constant 2 : i32
      %add3A_216 = arith.addi %mul3A_214, %add3A_215 : i32
      %add3A_217 = arith.constant 8 : i32
      %add3A_218 = arith.addi %add3A_216, %add3A_217 : i32
      %sub3A_219 = arith.constant 1 : i32
      %sub3A_220 = arith.subi %add3A_218, %sub3A_219 : i32
      %gt3A_221 = arith.constant 0 : i32
      %gt3A_222 = arith.cmpi sgt, %add3A_216, %gt3A_221 : i32
      %convert_element_type3A_223 = arith.extui %gt3A_222 : i1 to i32
      %cond3A_224 = arith.constant 0 : i32
      %cond3A_225 = arith.cmpi ne, %convert_element_type3A_223, %cond3A_224 : i32
      scf.if %cond3A_225 {
        %sub3A_585 = arith.constant 1 : i32
        %sub3A_586 = arith.subi %add3A_216, %sub3A_585 : i32
        %mul3A_587 = arith.constant 2 : i32
        %mul3A_588 = arith.muli %sub3A_586, %mul3A_587 : i32
        %add3A_589 = arith.addi %mul3A_4, %mul3A_588 : i32
        %add3A_590 = arith.constant 0 : i32
        %add3A_591 = arith.addi %add3A_589, %add3A_590 : i32
        %dma_wait3A_592 = arith.constant 0 : i32
        %dma_wait3A_593 = arith.constant 0 : i32
        %dma_wait3A_594 = tpu.memref_slice %arg7[%dma_wait3A_592, %dma_wait3A_593] : memref<100x128xf32, #tpu.memory_space<vmem>> -> memref<50x128xf32, #tpu.memory_space<vmem>>
        %dma_wait3A_595 = arith.constant 0 : i32
        %dma_wait3A_596 = arith.constant 0 : i32
        %dma_wait3A_597 = tpu.memref_slice %arg4[%add3A_591, %dma_wait3A_595, %dma_wait3A_596] : memref<4096x50x128xf32, #tpu.memory_space<hbm>> -> memref<1x50x128xf32, #tpu.memory_space<hbm>>
        %dma_wait3A_598 = tpu.memref_squeeze %dma_wait3A_597 : memref<1x50x128xf32, #tpu.memory_space<hbm>> -> memref<50x128xf32, #tpu.memory_space<hbm>>
        %dma_wait3A_599 = arith.constant 0 : i32
        %dma_wait3A_600 = arith.constant 0 : i32
        %dma_wait3A_601 = tpu.memref_slice %arg4[%add3A_591, %dma_wait3A_599, %dma_wait3A_600] : memref<4096x50x128xf32, #tpu.memory_space<hbm>> -> memref<1x50x128xf32, #tpu.memory_space<hbm>>
        %dma_wait3A_602 = tpu.memref_squeeze %dma_wait3A_601 : memref<1x50x128xf32, #tpu.memory_space<hbm>> -> memref<50x128xf32, #tpu.memory_space<hbm>>
        %dma_wait3A_603 = arith.constant 0 : i32
        %dma_wait3A_604 = arith.constant 0 : i32
        %dma_wait3A_605 = tpu.memref_slice %arg7[%dma_wait3A_603, %dma_wait3A_604] : memref<100x128xf32, #tpu.memory_space<vmem>> -> memref<50x128xf32, #tpu.memory_space<vmem>>
        tpu.wait_dma2 semaphore(%arg23 : memref<!tpu.dma_semaphore, #tpu.memory_space<semaphore_mem>>) src(%dma_wait3A_605 : memref<50x128xf32, #tpu.memory_space<vmem>>) dst(%dma_wait3A_602 : memref<50x128xf32, #tpu.memory_space<hbm>>)
        %mul3A_606 = arith.constant 2 : i32
        %mul3A_607 = arith.muli %sub3A_586, %mul3A_606 : i32
        %add3A_608 = arith.addi %mul3A_4, %mul3A_607 : i32
        %add3A_609 = arith.constant 1 : i32
        %add3A_610 = arith.addi %add3A_608, %add3A_609 : i32
        %dma_wait3A_611 = arith.constant 50 : i32
        %dma_wait3A_612 = arith.constant 0 : i32
        %dma_wait3A_613 = tpu.memref_slice %arg7[%dma_wait3A_611, %dma_wait3A_612] : memref<100x128xf32, #tpu.memory_space<vmem>> -> memref<50x128xf32, #tpu.memory_space<vmem>>
        %dma_wait3A_614 = arith.constant 0 : i32
        %dma_wait3A_615 = arith.constant 0 : i32
        %dma_wait3A_616 = tpu.memref_slice %arg4[%add3A_610, %dma_wait3A_614, %dma_wait3A_615] : memref<4096x50x128xf32, #tpu.memory_space<hbm>> -> memref<1x50x128xf32, #tpu.memory_space<hbm>>
        %dma_wait3A_617 = tpu.memref_squeeze %dma_wait3A_616 : memref<1x50x128xf32, #tpu.memory_space<hbm>> -> memref<50x128xf32, #tpu.memory_space<hbm>>
        %dma_wait3A_618 = arith.constant 0 : i32
        %dma_wait3A_619 = arith.constant 0 : i32
        %dma_wait3A_620 = tpu.memref_slice %arg4[%add3A_610, %dma_wait3A_618, %dma_wait3A_619] : memref<4096x50x128xf32, #tpu.memory_space<hbm>> -> memref<1x50x128xf32, #tpu.memory_space<hbm>>
        %dma_wait3A_621 = tpu.memref_squeeze %dma_wait3A_620 : memref<1x50x128xf32, #tpu.memory_space<hbm>> -> memref<50x128xf32, #tpu.memory_space<hbm>>
        %dma_wait3A_622 = arith.constant 50 : i32
        %dma_wait3A_623 = arith.constant 0 : i32
        %dma_wait3A_624 = tpu.memref_slice %arg7[%dma_wait3A_622, %dma_wait3A_623] : memref<100x128xf32, #tpu.memory_space<vmem>> -> memref<50x128xf32, #tpu.memory_space<vmem>>
        tpu.wait_dma2 semaphore(%arg23 : memref<!tpu.dma_semaphore, #tpu.memory_space<semaphore_mem>>) src(%dma_wait3A_624 : memref<50x128xf32, #tpu.memory_space<vmem>>) dst(%dma_wait3A_621 : memref<50x128xf32, #tpu.memory_space<hbm>>)
      } else {
      }
      %lt3A_226 = arith.constant 64 : i32
      %lt3A_227 = arith.cmpi slt, %sub3A_220, %lt3A_226 : i32
      %convert_element_type3A_228 = arith.extui %lt3A_227 : i1 to i32
      %cond3A_229 = arith.constant 0 : i32
      %cond3A_230 = arith.cmpi ne, %convert_element_type3A_228, %cond3A_229 : i32
      scf.if %cond3A_230 {
        %dma_start3A_585 = arith.constant 0 : i32
        %dma_start3A_586 = tpu.memref_slice %arg5[%sub3A_220, %dma_start3A_585] : memref<64x100xi32, #tpu.memory_space<vmem>> -> memref<1x100xi32, #tpu.memory_space<vmem>>
        %dma_start3A_587 = tpu.memref_squeeze %dma_start3A_586 : memref<1x100xi32, #tpu.memory_space<vmem>> -> memref<100xi32, #tpu.memory_space<vmem>>
        %dma_start3A_588 = arith.constant 0 : i32
        %dma_start3A_589 = arith.constant 0 : i32
        %dma_start3A_590 = tpu.memref_slice %arg3[%dma_start3A_588, %dma_start3A_589] : memref<100000x128xf32, #tpu.memory_space<hbm>> -> memref<100000x128xf32, #tpu.memory_space<hbm>>
        tpu.enqueue_indirect_dma source(%dma_start3A_590 : memref<100000x128xf32, #tpu.memory_space<hbm>>) target(%arg7 : memref<100x128xf32, #tpu.memory_space<vmem>>) offsets(%dma_start3A_587 : memref<100xi32, #tpu.memory_space<vmem>>) semaphore(%arg15 : memref<!tpu.dma_semaphore, #tpu.memory_space<semaphore_mem>>)
      } else {
      }
      %dma_wait3A_231 = arith.constant 0 : i32
      %dma_wait3A_232 = tpu.memref_slice %arg5[%add3A_216, %dma_wait3A_231] : memref<64x100xi32, #tpu.memory_space<vmem>> -> memref<1x100xi32, #tpu.memory_space<vmem>>
      %dma_wait3A_233 = tpu.memref_squeeze %dma_wait3A_232 : memref<1x100xi32, #tpu.memory_space<vmem>> -> memref<100xi32, #tpu.memory_space<vmem>>
      %dma_wait3A_234 = arith.constant 0 : i32
      %dma_wait3A_235 = arith.constant 0 : i32
      %dma_wait3A_236 = tpu.memref_slice %arg3[%dma_wait3A_234, %dma_wait3A_235] : memref<100000x128xf32, #tpu.memory_space<hbm>> -> memref<100000x128xf32, #tpu.memory_space<hbm>>
      tpu.wait_indirect_dma semaphore(%arg16 : memref<!tpu.dma_semaphore, #tpu.memory_space<semaphore_mem>>) src(%dma_wait3A_236 : memref<100000x128xf32, #tpu.memory_space<hbm>>) dst(%arg8 : memref<100x128xf32, #tpu.memory_space<vmem>>)
      %mul3A_237 = arith.constant 2 : i32
      %mul3A_238 = arith.muli %add3A_216, %mul3A_237 : i32
      %add3A_239 = arith.addi %mul3A_4, %mul3A_238 : i32
      %add3A_240 = arith.constant 0 : i32
      %add3A_241 = arith.addi %add3A_239, %add3A_240 : i32
      %dma_start3A_242 = arith.constant 0 : i32
      %dma_start3A_243 = arith.constant 0 : i32
      %dma_start3A_244 = tpu.memref_slice %arg8[%dma_start3A_242, %dma_start3A_243] : memref<100x128xf32, #tpu.memory_space<vmem>> -> memref<50x128xf32, #tpu.memory_space<vmem>>
      %dma_start3A_245 = arith.constant 0 : i32
      %dma_start3A_246 = arith.constant 0 : i32
      %dma_start3A_247 = tpu.memref_slice %arg4[%add3A_241, %dma_start3A_245, %dma_start3A_246] : memref<4096x50x128xf32, #tpu.memory_space<hbm>> -> memref<1x50x128xf32, #tpu.memory_space<hbm>>
      %dma_start3A_248 = tpu.memref_squeeze %dma_start3A_247 : memref<1x50x128xf32, #tpu.memory_space<hbm>> -> memref<50x128xf32, #tpu.memory_space<hbm>>
      %dma_start3A_249 = arith.constant 0 : i32
      %dma_start3A_250 = arith.constant 0 : i32
      %dma_start3A_251 = tpu.memref_slice %arg4[%add3A_241, %dma_start3A_249, %dma_start3A_250] : memref<4096x50x128xf32, #tpu.memory_space<hbm>> -> memref<1x50x128xf32, #tpu.memory_space<hbm>>
      %dma_start3A_252 = tpu.memref_squeeze %dma_start3A_251 : memref<1x50x128xf32, #tpu.memory_space<hbm>> -> memref<50x128xf32, #tpu.memory_space<hbm>>
      %dma_start3A_253 = arith.constant 0 : i32
      %dma_start3A_254 = arith.constant 0 : i32
      %dma_start3A_255 = tpu.memref_slice %arg8[%dma_start3A_253, %dma_start3A_254] : memref<100x128xf32, #tpu.memory_space<vmem>> -> memref<50x128xf32, #tpu.memory_space<vmem>>
      tpu.enqueue_dma source(%dma_start3A_255 : memref<50x128xf32, #tpu.memory_space<vmem>>) target(%dma_start3A_252 : memref<50x128xf32, #tpu.memory_space<hbm>>) target_semaphore(%arg24 : memref<!tpu.dma_semaphore, #tpu.memory_space<semaphore_mem>>)
      %mul3A_256 = arith.constant 2 : i32
      %mul3A_257 = arith.muli %add3A_216, %mul3A_256 : i32
      %add3A_258 = arith.addi %mul3A_4, %mul3A_257 : i32
      %add3A_259 = arith.constant 1 : i32
      %add3A_260 = arith.addi %add3A_258, %add3A_259 : i32
      %dma_start3A_261 = arith.constant 50 : i32
      %dma_start3A_262 = arith.constant 0 : i32
      %dma_start3A_263 = tpu.memref_slice %arg8[%dma_start3A_261, %dma_start3A_262] : memref<100x128xf32, #tpu.memory_space<vmem>> -> memref<50x128xf32, #tpu.memory_space<vmem>>
      %dma_start3A_264 = arith.constant 0 : i32
      %dma_start3A_265 = arith.constant 0 : i32
      %dma_start3A_266 = tpu.memref_slice %arg4[%add3A_260, %dma_start3A_264, %dma_start3A_265] : memref<4096x50x128xf32, #tpu.memory_space<hbm>> -> memref<1x50x128xf32, #tpu.memory_space<hbm>>
      %dma_start3A_267 = tpu.memref_squeeze %dma_start3A_266 : memref<1x50x128xf32, #tpu.memory_space<hbm>> -> memref<50x128xf32, #tpu.memory_space<hbm>>
      %dma_start3A_268 = arith.constant 0 : i32
      %dma_start3A_269 = arith.constant 0 : i32
      %dma_start3A_270 = tpu.memref_slice %arg4[%add3A_260, %dma_start3A_268, %dma_start3A_269] : memref<4096x50x128xf32, #tpu.memory_space<hbm>> -> memref<1x50x128xf32, #tpu.memory_space<hbm>>
      %dma_start3A_271 = tpu.memref_squeeze %dma_start3A_270 : memref<1x50x128xf32, #tpu.memory_space<hbm>> -> memref<50x128xf32, #tpu.memory_space<hbm>>
      %dma_start3A_272 = arith.constant 50 : i32
      %dma_start3A_273 = arith.constant 0 : i32
      %dma_start3A_274 = tpu.memref_slice %arg8[%dma_start3A_272, %dma_start3A_273] : memref<100x128xf32, #tpu.memory_space<vmem>> -> memref<50x128xf32, #tpu.memory_space<vmem>>
      tpu.enqueue_dma source(%dma_start3A_274 : memref<50x128xf32, #tpu.memory_space<vmem>>) target(%dma_start3A_271 : memref<50x128xf32, #tpu.memory_space<hbm>>) target_semaphore(%arg24 : memref<!tpu.dma_semaphore, #tpu.memory_space<semaphore_mem>>)
      %mul3A_275 = arith.constant 8 : i32
      %mul3A_276 = arith.muli %scan3A_93, %mul3A_275 : i32
      %add3A_277 = arith.constant 3 : i32
      %add3A_278 = arith.addi %mul3A_276, %add3A_277 : i32
      %add3A_279 = arith.constant 8 : i32
      %add3A_280 = arith.addi %add3A_278, %add3A_279 : i32
      %sub3A_281 = arith.constant 1 : i32
      %sub3A_282 = arith.subi %add3A_280, %sub3A_281 : i32
      %gt3A_283 = arith.constant 0 : i32
      %gt3A_284 = arith.cmpi sgt, %add3A_278, %gt3A_283 : i32
      %convert_element_type3A_285 = arith.extui %gt3A_284 : i1 to i32
      %cond3A_286 = arith.constant 0 : i32
      %cond3A_287 = arith.cmpi ne, %convert_element_type3A_285, %cond3A_286 : i32
      scf.if %cond3A_287 {
        %sub3A_585 = arith.constant 1 : i32
        %sub3A_586 = arith.subi %add3A_278, %sub3A_585 : i32
        %mul3A_587 = arith.constant 2 : i32
        %mul3A_588 = arith.muli %sub3A_586, %mul3A_587 : i32
        %add3A_589 = arith.addi %mul3A_4, %mul3A_588 : i32
        %add3A_590 = arith.constant 0 : i32
        %add3A_591 = arith.addi %add3A_589, %add3A_590 : i32
        %dma_wait3A_592 = arith.constant 0 : i32
        %dma_wait3A_593 = arith.constant 0 : i32
        %dma_wait3A_594 = tpu.memref_slice %arg8[%dma_wait3A_592, %dma_wait3A_593] : memref<100x128xf32, #tpu.memory_space<vmem>> -> memref<50x128xf32, #tpu.memory_space<vmem>>
        %dma_wait3A_595 = arith.constant 0 : i32
        %dma_wait3A_596 = arith.constant 0 : i32
        %dma_wait3A_597 = tpu.memref_slice %arg4[%add3A_591, %dma_wait3A_595, %dma_wait3A_596] : memref<4096x50x128xf32, #tpu.memory_space<hbm>> -> memref<1x50x128xf32, #tpu.memory_space<hbm>>
        %dma_wait3A_598 = tpu.memref_squeeze %dma_wait3A_597 : memref<1x50x128xf32, #tpu.memory_space<hbm>> -> memref<50x128xf32, #tpu.memory_space<hbm>>
        %dma_wait3A_599 = arith.constant 0 : i32
        %dma_wait3A_600 = arith.constant 0 : i32
        %dma_wait3A_601 = tpu.memref_slice %arg4[%add3A_591, %dma_wait3A_599, %dma_wait3A_600] : memref<4096x50x128xf32, #tpu.memory_space<hbm>> -> memref<1x50x128xf32, #tpu.memory_space<hbm>>
        %dma_wait3A_602 = tpu.memref_squeeze %dma_wait3A_601 : memref<1x50x128xf32, #tpu.memory_space<hbm>> -> memref<50x128xf32, #tpu.memory_space<hbm>>
        %dma_wait3A_603 = arith.constant 0 : i32
        %dma_wait3A_604 = arith.constant 0 : i32
        %dma_wait3A_605 = tpu.memref_slice %arg8[%dma_wait3A_603, %dma_wait3A_604] : memref<100x128xf32, #tpu.memory_space<vmem>> -> memref<50x128xf32, #tpu.memory_space<vmem>>
        tpu.wait_dma2 semaphore(%arg24 : memref<!tpu.dma_semaphore, #tpu.memory_space<semaphore_mem>>) src(%dma_wait3A_605 : memref<50x128xf32, #tpu.memory_space<vmem>>) dst(%dma_wait3A_602 : memref<50x128xf32, #tpu.memory_space<hbm>>)
        %mul3A_606 = arith.constant 2 : i32
        %mul3A_607 = arith.muli %sub3A_586, %mul3A_606 : i32
        %add3A_608 = arith.addi %mul3A_4, %mul3A_607 : i32
        %add3A_609 = arith.constant 1 : i32
        %add3A_610 = arith.addi %add3A_608, %add3A_609 : i32
        %dma_wait3A_611 = arith.constant 50 : i32
        %dma_wait3A_612 = arith.constant 0 : i32
        %dma_wait3A_613 = tpu.memref_slice %arg8[%dma_wait3A_611, %dma_wait3A_612] : memref<100x128xf32, #tpu.memory_space<vmem>> -> memref<50x128xf32, #tpu.memory_space<vmem>>
        %dma_wait3A_614 = arith.constant 0 : i32
        %dma_wait3A_615 = arith.constant 0 : i32
        %dma_wait3A_616 = tpu.memref_slice %arg4[%add3A_610, %dma_wait3A_614, %dma_wait3A_615] : memref<4096x50x128xf32, #tpu.memory_space<hbm>> -> memref<1x50x128xf32, #tpu.memory_space<hbm>>
        %dma_wait3A_617 = tpu.memref_squeeze %dma_wait3A_616 : memref<1x50x128xf32, #tpu.memory_space<hbm>> -> memref<50x128xf32, #tpu.memory_space<hbm>>
        %dma_wait3A_618 = arith.constant 0 : i32
        %dma_wait3A_619 = arith.constant 0 : i32
        %dma_wait3A_620 = tpu.memref_slice %arg4[%add3A_610, %dma_wait3A_618, %dma_wait3A_619] : memref<4096x50x128xf32, #tpu.memory_space<hbm>> -> memref<1x50x128xf32, #tpu.memory_space<hbm>>
        %dma_wait3A_621 = tpu.memref_squeeze %dma_wait3A_620 : memref<1x50x128xf32, #tpu.memory_space<hbm>> -> memref<50x128xf32, #tpu.memory_space<hbm>>
        %dma_wait3A_622 = arith.constant 50 : i32
        %dma_wait3A_623 = arith.constant 0 : i32
        %dma_wait3A_624 = tpu.memref_slice %arg8[%dma_wait3A_622, %dma_wait3A_623] : memref<100x128xf32, #tpu.memory_space<vmem>> -> memref<50x128xf32, #tpu.memory_space<vmem>>
        tpu.wait_dma2 semaphore(%arg24 : memref<!tpu.dma_semaphore, #tpu.memory_space<semaphore_mem>>) src(%dma_wait3A_624 : memref<50x128xf32, #tpu.memory_space<vmem>>) dst(%dma_wait3A_621 : memref<50x128xf32, #tpu.memory_space<hbm>>)
      } else {
      }
      %lt3A_288 = arith.constant 64 : i32
      %lt3A_289 = arith.cmpi slt, %sub3A_282, %lt3A_288 : i32
      %convert_element_type3A_290 = arith.extui %lt3A_289 : i1 to i32
      %cond3A_291 = arith.constant 0 : i32
      %cond3A_292 = arith.cmpi ne, %convert_element_type3A_290, %cond3A_291 : i32
      scf.if %cond3A_292 {
        %dma_start3A_585 = arith.constant 0 : i32
        %dma_start3A_586 = tpu.memref_slice %arg5[%sub3A_282, %dma_start3A_585] : memref<64x100xi32, #tpu.memory_space<vmem>> -> memref<1x100xi32, #tpu.memory_space<vmem>>
        %dma_start3A_587 = tpu.memref_squeeze %dma_start3A_586 : memref<1x100xi32, #tpu.memory_space<vmem>> -> memref<100xi32, #tpu.memory_space<vmem>>
        %dma_start3A_588 = arith.constant 0 : i32
        %dma_start3A_589 = arith.constant 0 : i32
        %dma_start3A_590 = tpu.memref_slice %arg3[%dma_start3A_588, %dma_start3A_589] : memref<100000x128xf32, #tpu.memory_space<hbm>> -> memref<100000x128xf32, #tpu.memory_space<hbm>>
        tpu.enqueue_indirect_dma source(%dma_start3A_590 : memref<100000x128xf32, #tpu.memory_space<hbm>>) target(%arg8 : memref<100x128xf32, #tpu.memory_space<vmem>>) offsets(%dma_start3A_587 : memref<100xi32, #tpu.memory_space<vmem>>) semaphore(%arg16 : memref<!tpu.dma_semaphore, #tpu.memory_space<semaphore_mem>>)
      } else {
      }
      %dma_wait3A_293 = arith.constant 0 : i32
      %dma_wait3A_294 = tpu.memref_slice %arg5[%add3A_278, %dma_wait3A_293] : memref<64x100xi32, #tpu.memory_space<vmem>> -> memref<1x100xi32, #tpu.memory_space<vmem>>
      %dma_wait3A_295 = tpu.memref_squeeze %dma_wait3A_294 : memref<1x100xi32, #tpu.memory_space<vmem>> -> memref<100xi32, #tpu.memory_space<vmem>>
      %dma_wait3A_296 = arith.constant 0 : i32
      %dma_wait3A_297 = arith.constant 0 : i32
      %dma_wait3A_298 = tpu.memref_slice %arg3[%dma_wait3A_296, %dma_wait3A_297] : memref<100000x128xf32, #tpu.memory_space<hbm>> -> memref<100000x128xf32, #tpu.memory_space<hbm>>
      tpu.wait_indirect_dma semaphore(%arg17 : memref<!tpu.dma_semaphore, #tpu.memory_space<semaphore_mem>>) src(%dma_wait3A_298 : memref<100000x128xf32, #tpu.memory_space<hbm>>) dst(%arg9 : memref<100x128xf32, #tpu.memory_space<vmem>>)
      %mul3A_299 = arith.constant 2 : i32
      %mul3A_300 = arith.muli %add3A_278, %mul3A_299 : i32
      %add3A_301 = arith.addi %mul3A_4, %mul3A_300 : i32
      %add3A_302 = arith.constant 0 : i32
      %add3A_303 = arith.addi %add3A_301, %add3A_302 : i32
      %dma_start3A_304 = arith.constant 0 : i32
      %dma_start3A_305 = arith.constant 0 : i32
      %dma_start3A_306 = tpu.memref_slice %arg9[%dma_start3A_304, %dma_start3A_305] : memref<100x128xf32, #tpu.memory_space<vmem>> -> memref<50x128xf32, #tpu.memory_space<vmem>>
      %dma_start3A_307 = arith.constant 0 : i32
      %dma_start3A_308 = arith.constant 0 : i32
      %dma_start3A_309 = tpu.memref_slice %arg4[%add3A_303, %dma_start3A_307, %dma_start3A_308] : memref<4096x50x128xf32, #tpu.memory_space<hbm>> -> memref<1x50x128xf32, #tpu.memory_space<hbm>>
      %dma_start3A_310 = tpu.memref_squeeze %dma_start3A_309 : memref<1x50x128xf32, #tpu.memory_space<hbm>> -> memref<50x128xf32, #tpu.memory_space<hbm>>
      %dma_start3A_311 = arith.constant 0 : i32
      %dma_start3A_312 = arith.constant 0 : i32
      %dma_start3A_313 = tpu.memref_slice %arg4[%add3A_303, %dma_start3A_311, %dma_start3A_312] : memref<4096x50x128xf32, #tpu.memory_space<hbm>> -> memref<1x50x128xf32, #tpu.memory_space<hbm>>
      %dma_start3A_314 = tpu.memref_squeeze %dma_start3A_313 : memref<1x50x128xf32, #tpu.memory_space<hbm>> -> memref<50x128xf32, #tpu.memory_space<hbm>>
      %dma_start3A_315 = arith.constant 0 : i32
      %dma_start3A_316 = arith.constant 0 : i32
      %dma_start3A_317 = tpu.memref_slice %arg9[%dma_start3A_315, %dma_start3A_316] : memref<100x128xf32, #tpu.memory_space<vmem>> -> memref<50x128xf32, #tpu.memory_space<vmem>>
      tpu.enqueue_dma source(%dma_start3A_317 : memref<50x128xf32, #tpu.memory_space<vmem>>) target(%dma_start3A_314 : memref<50x128xf32, #tpu.memory_space<hbm>>) target_semaphore(%arg25 : memref<!tpu.dma_semaphore, #tpu.memory_space<semaphore_mem>>)
      %mul3A_318 = arith.constant 2 : i32
      %mul3A_319 = arith.muli %add3A_278, %mul3A_318 : i32
      %add3A_320 = arith.addi %mul3A_4, %mul3A_319 : i32
      %add3A_321 = arith.constant 1 : i32
      %add3A_322 = arith.addi %add3A_320, %add3A_321 : i32
      %dma_start3A_323 = arith.constant 50 : i32
      %dma_start3A_324 = arith.constant 0 : i32
      %dma_start3A_325 = tpu.memref_slice %arg9[%dma_start3A_323, %dma_start3A_324] : memref<100x128xf32, #tpu.memory_space<vmem>> -> memref<50x128xf32, #tpu.memory_space<vmem>>
      %dma_start3A_326 = arith.constant 0 : i32
      %dma_start3A_327 = arith.constant 0 : i32
      %dma_start3A_328 = tpu.memref_slice %arg4[%add3A_322, %dma_start3A_326, %dma_start3A_327] : memref<4096x50x128xf32, #tpu.memory_space<hbm>> -> memref<1x50x128xf32, #tpu.memory_space<hbm>>
      %dma_start3A_329 = tpu.memref_squeeze %dma_start3A_328 : memref<1x50x128xf32, #tpu.memory_space<hbm>> -> memref<50x128xf32, #tpu.memory_space<hbm>>
      %dma_start3A_330 = arith.constant 0 : i32
      %dma_start3A_331 = arith.constant 0 : i32
      %dma_start3A_332 = tpu.memref_slice %arg4[%add3A_322, %dma_start3A_330, %dma_start3A_331] : memref<4096x50x128xf32, #tpu.memory_space<hbm>> -> memref<1x50x128xf32, #tpu.memory_space<hbm>>
      %dma_start3A_333 = tpu.memref_squeeze %dma_start3A_332 : memref<1x50x128xf32, #tpu.memory_space<hbm>> -> memref<50x128xf32, #tpu.memory_space<hbm>>
      %dma_start3A_334 = arith.constant 50 : i32
      %dma_start3A_335 = arith.constant 0 : i32
      %dma_start3A_336 = tpu.memref_slice %arg9[%dma_start3A_334, %dma_start3A_335] : memref<100x128xf32, #tpu.memory_space<vmem>> -> memref<50x128xf32, #tpu.memory_space<vmem>>
      tpu.enqueue_dma source(%dma_start3A_336 : memref<50x128xf32, #tpu.memory_space<vmem>>) target(%dma_start3A_333 : memref<50x128xf32, #tpu.memory_space<hbm>>) target_semaphore(%arg25 : memref<!tpu.dma_semaphore, #tpu.memory_space<semaphore_mem>>)
      %mul3A_337 = arith.constant 8 : i32
      %mul3A_338 = arith.muli %scan3A_93, %mul3A_337 : i32
      %add3A_339 = arith.constant 4 : i32
      %add3A_340 = arith.addi %mul3A_338, %add3A_339 : i32
      %add3A_341 = arith.constant 8 : i32
      %add3A_342 = arith.addi %add3A_340, %add3A_341 : i32
      %sub3A_343 = arith.constant 1 : i32
      %sub3A_344 = arith.subi %add3A_342, %sub3A_343 : i32
      %gt3A_345 = arith.constant 0 : i32
      %gt3A_346 = arith.cmpi sgt, %add3A_340, %gt3A_345 : i32
      %convert_element_type3A_347 = arith.extui %gt3A_346 : i1 to i32
      %cond3A_348 = arith.constant 0 : i32
      %cond3A_349 = arith.cmpi ne, %convert_element_type3A_347, %cond3A_348 : i32
      scf.if %cond3A_349 {
        %sub3A_585 = arith.constant 1 : i32
        %sub3A_586 = arith.subi %add3A_340, %sub3A_585 : i32
        %mul3A_587 = arith.constant 2 : i32
        %mul3A_588 = arith.muli %sub3A_586, %mul3A_587 : i32
        %add3A_589 = arith.addi %mul3A_4, %mul3A_588 : i32
        %add3A_590 = arith.constant 0 : i32
        %add3A_591 = arith.addi %add3A_589, %add3A_590 : i32
        %dma_wait3A_592 = arith.constant 0 : i32
        %dma_wait3A_593 = arith.constant 0 : i32
        %dma_wait3A_594 = tpu.memref_slice %arg9[%dma_wait3A_592, %dma_wait3A_593] : memref<100x128xf32, #tpu.memory_space<vmem>> -> memref<50x128xf32, #tpu.memory_space<vmem>>
        %dma_wait3A_595 = arith.constant 0 : i32
        %dma_wait3A_596 = arith.constant 0 : i32
        %dma_wait3A_597 = tpu.memref_slice %arg4[%add3A_591, %dma_wait3A_595, %dma_wait3A_596] : memref<4096x50x128xf32, #tpu.memory_space<hbm>> -> memref<1x50x128xf32, #tpu.memory_space<hbm>>
        %dma_wait3A_598 = tpu.memref_squeeze %dma_wait3A_597 : memref<1x50x128xf32, #tpu.memory_space<hbm>> -> memref<50x128xf32, #tpu.memory_space<hbm>>
        %dma_wait3A_599 = arith.constant 0 : i32
        %dma_wait3A_600 = arith.constant 0 : i32
        %dma_wait3A_601 = tpu.memref_slice %arg4[%add3A_591, %dma_wait3A_599, %dma_wait3A_600] : memref<4096x50x128xf32, #tpu.memory_space<hbm>> -> memref<1x50x128xf32, #tpu.memory_space<hbm>>
        %dma_wait3A_602 = tpu.memref_squeeze %dma_wait3A_601 : memref<1x50x128xf32, #tpu.memory_space<hbm>> -> memref<50x128xf32, #tpu.memory_space<hbm>>
        %dma_wait3A_603 = arith.constant 0 : i32
        %dma_wait3A_604 = arith.constant 0 : i32
        %dma_wait3A_605 = tpu.memref_slice %arg9[%dma_wait3A_603, %dma_wait3A_604] : memref<100x128xf32, #tpu.memory_space<vmem>> -> memref<50x128xf32, #tpu.memory_space<vmem>>
        tpu.wait_dma2 semaphore(%arg25 : memref<!tpu.dma_semaphore, #tpu.memory_space<semaphore_mem>>) src(%dma_wait3A_605 : memref<50x128xf32, #tpu.memory_space<vmem>>) dst(%dma_wait3A_602 : memref<50x128xf32, #tpu.memory_space<hbm>>)
        %mul3A_606 = arith.constant 2 : i32
        %mul3A_607 = arith.muli %sub3A_586, %mul3A_606 : i32
        %add3A_608 = arith.addi %mul3A_4, %mul3A_607 : i32
        %add3A_609 = arith.constant 1 : i32
        %add3A_610 = arith.addi %add3A_608, %add3A_609 : i32
        %dma_wait3A_611 = arith.constant 50 : i32
        %dma_wait3A_612 = arith.constant 0 : i32
        %dma_wait3A_613 = tpu.memref_slice %arg9[%dma_wait3A_611, %dma_wait3A_612] : memref<100x128xf32, #tpu.memory_space<vmem>> -> memref<50x128xf32, #tpu.memory_space<vmem>>
        %dma_wait3A_614 = arith.constant 0 : i32
        %dma_wait3A_615 = arith.constant 0 : i32
        %dma_wait3A_616 = tpu.memref_slice %arg4[%add3A_610, %dma_wait3A_614, %dma_wait3A_615] : memref<4096x50x128xf32, #tpu.memory_space<hbm>> -> memref<1x50x128xf32, #tpu.memory_space<hbm>>
        %dma_wait3A_617 = tpu.memref_squeeze %dma_wait3A_616 : memref<1x50x128xf32, #tpu.memory_space<hbm>> -> memref<50x128xf32, #tpu.memory_space<hbm>>
        %dma_wait3A_618 = arith.constant 0 : i32
        %dma_wait3A_619 = arith.constant 0 : i32
        %dma_wait3A_620 = tpu.memref_slice %arg4[%add3A_610, %dma_wait3A_618, %dma_wait3A_619] : memref<4096x50x128xf32, #tpu.memory_space<hbm>> -> memref<1x50x128xf32, #tpu.memory_space<hbm>>
        %dma_wait3A_621 = tpu.memref_squeeze %dma_wait3A_620 : memref<1x50x128xf32, #tpu.memory_space<hbm>> -> memref<50x128xf32, #tpu.memory_space<hbm>>
        %dma_wait3A_622 = arith.constant 50 : i32
        %dma_wait3A_623 = arith.constant 0 : i32
        %dma_wait3A_624 = tpu.memref_slice %arg9[%dma_wait3A_622, %dma_wait3A_623] : memref<100x128xf32, #tpu.memory_space<vmem>> -> memref<50x128xf32, #tpu.memory_space<vmem>>
        tpu.wait_dma2 semaphore(%arg25 : memref<!tpu.dma_semaphore, #tpu.memory_space<semaphore_mem>>) src(%dma_wait3A_624 : memref<50x128xf32, #tpu.memory_space<vmem>>) dst(%dma_wait3A_621 : memref<50x128xf32, #tpu.memory_space<hbm>>)
      } else {
      }
      %lt3A_350 = arith.constant 64 : i32
      %lt3A_351 = arith.cmpi slt, %sub3A_344, %lt3A_350 : i32
      %convert_element_type3A_352 = arith.extui %lt3A_351 : i1 to i32
      %cond3A_353 = arith.constant 0 : i32
      %cond3A_354 = arith.cmpi ne, %convert_element_type3A_352, %cond3A_353 : i32
      scf.if %cond3A_354 {
        %dma_start3A_585 = arith.constant 0 : i32
        %dma_start3A_586 = tpu.memref_slice %arg5[%sub3A_344, %dma_start3A_585] : memref<64x100xi32, #tpu.memory_space<vmem>> -> memref<1x100xi32, #tpu.memory_space<vmem>>
        %dma_start3A_587 = tpu.memref_squeeze %dma_start3A_586 : memref<1x100xi32, #tpu.memory_space<vmem>> -> memref<100xi32, #tpu.memory_space<vmem>>
        %dma_start3A_588 = arith.constant 0 : i32
        %dma_start3A_589 = arith.constant 0 : i32
        %dma_start3A_590 = tpu.memref_slice %arg3[%dma_start3A_588, %dma_start3A_589] : memref<100000x128xf32, #tpu.memory_space<hbm>> -> memref<100000x128xf32, #tpu.memory_space<hbm>>
        tpu.enqueue_indirect_dma source(%dma_start3A_590 : memref<100000x128xf32, #tpu.memory_space<hbm>>) target(%arg9 : memref<100x128xf32, #tpu.memory_space<vmem>>) offsets(%dma_start3A_587 : memref<100xi32, #tpu.memory_space<vmem>>) semaphore(%arg17 : memref<!tpu.dma_semaphore, #tpu.memory_space<semaphore_mem>>)
      } else {
      }
      %dma_wait3A_355 = arith.constant 0 : i32
      %dma_wait3A_356 = tpu.memref_slice %arg5[%add3A_340, %dma_wait3A_355] : memref<64x100xi32, #tpu.memory_space<vmem>> -> memref<1x100xi32, #tpu.memory_space<vmem>>
      %dma_wait3A_357 = tpu.memref_squeeze %dma_wait3A_356 : memref<1x100xi32, #tpu.memory_space<vmem>> -> memref<100xi32, #tpu.memory_space<vmem>>
      %dma_wait3A_358 = arith.constant 0 : i32
      %dma_wait3A_359 = arith.constant 0 : i32
      %dma_wait3A_360 = tpu.memref_slice %arg3[%dma_wait3A_358, %dma_wait3A_359] : memref<100000x128xf32, #tpu.memory_space<hbm>> -> memref<100000x128xf32, #tpu.memory_space<hbm>>
      tpu.wait_indirect_dma semaphore(%arg18 : memref<!tpu.dma_semaphore, #tpu.memory_space<semaphore_mem>>) src(%dma_wait3A_360 : memref<100000x128xf32, #tpu.memory_space<hbm>>) dst(%arg10 : memref<100x128xf32, #tpu.memory_space<vmem>>)
      %mul3A_361 = arith.constant 2 : i32
      %mul3A_362 = arith.muli %add3A_340, %mul3A_361 : i32
      %add3A_363 = arith.addi %mul3A_4, %mul3A_362 : i32
      %add3A_364 = arith.constant 0 : i32
      %add3A_365 = arith.addi %add3A_363, %add3A_364 : i32
      %dma_start3A_366 = arith.constant 0 : i32
      %dma_start3A_367 = arith.constant 0 : i32
      %dma_start3A_368 = tpu.memref_slice %arg10[%dma_start3A_366, %dma_start3A_367] : memref<100x128xf32, #tpu.memory_space<vmem>> -> memref<50x128xf32, #tpu.memory_space<vmem>>
      %dma_start3A_369 = arith.constant 0 : i32
      %dma_start3A_370 = arith.constant 0 : i32
      %dma_start3A_371 = tpu.memref_slice %arg4[%add3A_365, %dma_start3A_369, %dma_start3A_370] : memref<4096x50x128xf32, #tpu.memory_space<hbm>> -> memref<1x50x128xf32, #tpu.memory_space<hbm>>
      %dma_start3A_372 = tpu.memref_squeeze %dma_start3A_371 : memref<1x50x128xf32, #tpu.memory_space<hbm>> -> memref<50x128xf32, #tpu.memory_space<hbm>>
      %dma_start3A_373 = arith.constant 0 : i32
      %dma_start3A_374 = arith.constant 0 : i32
      %dma_start3A_375 = tpu.memref_slice %arg4[%add3A_365, %dma_start3A_373, %dma_start3A_374] : memref<4096x50x128xf32, #tpu.memory_space<hbm>> -> memref<1x50x128xf32, #tpu.memory_space<hbm>>
      %dma_start3A_376 = tpu.memref_squeeze %dma_start3A_375 : memref<1x50x128xf32, #tpu.memory_space<hbm>> -> memref<50x128xf32, #tpu.memory_space<hbm>>
      %dma_start3A_377 = arith.constant 0 : i32
      %dma_start3A_378 = arith.constant 0 : i32
      %dma_start3A_379 = tpu.memref_slice %arg10[%dma_start3A_377, %dma_start3A_378] : memref<100x128xf32, #tpu.memory_space<vmem>> -> memref<50x128xf32, #tpu.memory_space<vmem>>
      tpu.enqueue_dma source(%dma_start3A_379 : memref<50x128xf32, #tpu.memory_space<vmem>>) target(%dma_start3A_376 : memref<50x128xf32, #tpu.memory_space<hbm>>) target_semaphore(%arg26 : memref<!tpu.dma_semaphore, #tpu.memory_space<semaphore_mem>>)
      %mul3A_380 = arith.constant 2 : i32
      %mul3A_381 = arith.muli %add3A_340, %mul3A_380 : i32
      %add3A_382 = arith.addi %mul3A_4, %mul3A_381 : i32
      %add3A_383 = arith.constant 1 : i32
      %add3A_384 = arith.addi %add3A_382, %add3A_383 : i32
      %dma_start3A_385 = arith.constant 50 : i32
      %dma_start3A_386 = arith.constant 0 : i32
      %dma_start3A_387 = tpu.memref_slice %arg10[%dma_start3A_385, %dma_start3A_386] : memref<100x128xf32, #tpu.memory_space<vmem>> -> memref<50x128xf32, #tpu.memory_space<vmem>>
      %dma_start3A_388 = arith.constant 0 : i32
      %dma_start3A_389 = arith.constant 0 : i32
      %dma_start3A_390 = tpu.memref_slice %arg4[%add3A_384, %dma_start3A_388, %dma_start3A_389] : memref<4096x50x128xf32, #tpu.memory_space<hbm>> -> memref<1x50x128xf32, #tpu.memory_space<hbm>>
      %dma_start3A_391 = tpu.memref_squeeze %dma_start3A_390 : memref<1x50x128xf32, #tpu.memory_space<hbm>> -> memref<50x128xf32, #tpu.memory_space<hbm>>
      %dma_start3A_392 = arith.constant 0 : i32
      %dma_start3A_393 = arith.constant 0 : i32
      %dma_start3A_394 = tpu.memref_slice %arg4[%add3A_384, %dma_start3A_392, %dma_start3A_393] : memref<4096x50x128xf32, #tpu.memory_space<hbm>> -> memref<1x50x128xf32, #tpu.memory_space<hbm>>
      %dma_start3A_395 = tpu.memref_squeeze %dma_start3A_394 : memref<1x50x128xf32, #tpu.memory_space<hbm>> -> memref<50x128xf32, #tpu.memory_space<hbm>>
      %dma_start3A_396 = arith.constant 50 : i32
      %dma_start3A_397 = arith.constant 0 : i32
      %dma_start3A_398 = tpu.memref_slice %arg10[%dma_start3A_396, %dma_start3A_397] : memref<100x128xf32, #tpu.memory_space<vmem>> -> memref<50x128xf32, #tpu.memory_space<vmem>>
      tpu.enqueue_dma source(%dma_start3A_398 : memref<50x128xf32, #tpu.memory_space<vmem>>) target(%dma_start3A_395 : memref<50x128xf32, #tpu.memory_space<hbm>>) target_semaphore(%arg26 : memref<!tpu.dma_semaphore, #tpu.memory_space<semaphore_mem>>)
      %mul3A_399 = arith.constant 8 : i32
      %mul3A_400 = arith.muli %scan3A_93, %mul3A_399 : i32
      %add3A_401 = arith.constant 5 : i32
      %add3A_402 = arith.addi %mul3A_400, %add3A_401 : i32
      %add3A_403 = arith.constant 8 : i32
      %add3A_404 = arith.addi %add3A_402, %add3A_403 : i32
      %sub3A_405 = arith.constant 1 : i32
      %sub3A_406 = arith.subi %add3A_404, %sub3A_405 : i32
      %gt3A_407 = arith.constant 0 : i32
      %gt3A_408 = arith.cmpi sgt, %add3A_402, %gt3A_407 : i32
      %convert_element_type3A_409 = arith.extui %gt3A_408 : i1 to i32
      %cond3A_410 = arith.constant 0 : i32
      %cond3A_411 = arith.cmpi ne, %convert_element_type3A_409, %cond3A_410 : i32
      scf.if %cond3A_411 {
        %sub3A_585 = arith.constant 1 : i32
        %sub3A_586 = arith.subi %add3A_402, %sub3A_585 : i32
        %mul3A_587 = arith.constant 2 : i32
        %mul3A_588 = arith.muli %sub3A_586, %mul3A_587 : i32
        %add3A_589 = arith.addi %mul3A_4, %mul3A_588 : i32
        %add3A_590 = arith.constant 0 : i32
        %add3A_591 = arith.addi %add3A_589, %add3A_590 : i32
        %dma_wait3A_592 = arith.constant 0 : i32
        %dma_wait3A_593 = arith.constant 0 : i32
        %dma_wait3A_594 = tpu.memref_slice %arg10[%dma_wait3A_592, %dma_wait3A_593] : memref<100x128xf32, #tpu.memory_space<vmem>> -> memref<50x128xf32, #tpu.memory_space<vmem>>
        %dma_wait3A_595 = arith.constant 0 : i32
        %dma_wait3A_596 = arith.constant 0 : i32
        %dma_wait3A_597 = tpu.memref_slice %arg4[%add3A_591, %dma_wait3A_595, %dma_wait3A_596] : memref<4096x50x128xf32, #tpu.memory_space<hbm>> -> memref<1x50x128xf32, #tpu.memory_space<hbm>>
        %dma_wait3A_598 = tpu.memref_squeeze %dma_wait3A_597 : memref<1x50x128xf32, #tpu.memory_space<hbm>> -> memref<50x128xf32, #tpu.memory_space<hbm>>
        %dma_wait3A_599 = arith.constant 0 : i32
        %dma_wait3A_600 = arith.constant 0 : i32
        %dma_wait3A_601 = tpu.memref_slice %arg4[%add3A_591, %dma_wait3A_599, %dma_wait3A_600] : memref<4096x50x128xf32, #tpu.memory_space<hbm>> -> memref<1x50x128xf32, #tpu.memory_space<hbm>>
        %dma_wait3A_602 = tpu.memref_squeeze %dma_wait3A_601 : memref<1x50x128xf32, #tpu.memory_space<hbm>> -> memref<50x128xf32, #tpu.memory_space<hbm>>
        %dma_wait3A_603 = arith.constant 0 : i32
        %dma_wait3A_604 = arith.constant 0 : i32
        %dma_wait3A_605 = tpu.memref_slice %arg10[%dma_wait3A_603, %dma_wait3A_604] : memref<100x128xf32, #tpu.memory_space<vmem>> -> memref<50x128xf32, #tpu.memory_space<vmem>>
        tpu.wait_dma2 semaphore(%arg26 : memref<!tpu.dma_semaphore, #tpu.memory_space<semaphore_mem>>) src(%dma_wait3A_605 : memref<50x128xf32, #tpu.memory_space<vmem>>) dst(%dma_wait3A_602 : memref<50x128xf32, #tpu.memory_space<hbm>>)
        %mul3A_606 = arith.constant 2 : i32
        %mul3A_607 = arith.muli %sub3A_586, %mul3A_606 : i32
        %add3A_608 = arith.addi %mul3A_4, %mul3A_607 : i32
        %add3A_609 = arith.constant 1 : i32
        %add3A_610 = arith.addi %add3A_608, %add3A_609 : i32
        %dma_wait3A_611 = arith.constant 50 : i32
        %dma_wait3A_612 = arith.constant 0 : i32
        %dma_wait3A_613 = tpu.memref_slice %arg10[%dma_wait3A_611, %dma_wait3A_612] : memref<100x128xf32, #tpu.memory_space<vmem>> -> memref<50x128xf32, #tpu.memory_space<vmem>>
        %dma_wait3A_614 = arith.constant 0 : i32
        %dma_wait3A_615 = arith.constant 0 : i32
        %dma_wait3A_616 = tpu.memref_slice %arg4[%add3A_610, %dma_wait3A_614, %dma_wait3A_615] : memref<4096x50x128xf32, #tpu.memory_space<hbm>> -> memref<1x50x128xf32, #tpu.memory_space<hbm>>
        %dma_wait3A_617 = tpu.memref_squeeze %dma_wait3A_616 : memref<1x50x128xf32, #tpu.memory_space<hbm>> -> memref<50x128xf32, #tpu.memory_space<hbm>>
        %dma_wait3A_618 = arith.constant 0 : i32
        %dma_wait3A_619 = arith.constant 0 : i32
        %dma_wait3A_620 = tpu.memref_slice %arg4[%add3A_610, %dma_wait3A_618, %dma_wait3A_619] : memref<4096x50x128xf32, #tpu.memory_space<hbm>> -> memref<1x50x128xf32, #tpu.memory_space<hbm>>
        %dma_wait3A_621 = tpu.memref_squeeze %dma_wait3A_620 : memref<1x50x128xf32, #tpu.memory_space<hbm>> -> memref<50x128xf32, #tpu.memory_space<hbm>>
        %dma_wait3A_622 = arith.constant 50 : i32
        %dma_wait3A_623 = arith.constant 0 : i32
        %dma_wait3A_624 = tpu.memref_slice %arg10[%dma_wait3A_622, %dma_wait3A_623] : memref<100x128xf32, #tpu.memory_space<vmem>> -> memref<50x128xf32, #tpu.memory_space<vmem>>
        tpu.wait_dma2 semaphore(%arg26 : memref<!tpu.dma_semaphore, #tpu.memory_space<semaphore_mem>>) src(%dma_wait3A_624 : memref<50x128xf32, #tpu.memory_space<vmem>>) dst(%dma_wait3A_621 : memref<50x128xf32, #tpu.memory_space<hbm>>)
      } else {
      }
      %lt3A_412 = arith.constant 64 : i32
      %lt3A_413 = arith.cmpi slt, %sub3A_406, %lt3A_412 : i32
      %convert_element_type3A_414 = arith.extui %lt3A_413 : i1 to i32
      %cond3A_415 = arith.constant 0 : i32
      %cond3A_416 = arith.cmpi ne, %convert_element_type3A_414, %cond3A_415 : i32
      scf.if %cond3A_416 {
        %dma_start3A_585 = arith.constant 0 : i32
        %dma_start3A_586 = tpu.memref_slice %arg5[%sub3A_406, %dma_start3A_585] : memref<64x100xi32, #tpu.memory_space<vmem>> -> memref<1x100xi32, #tpu.memory_space<vmem>>
        %dma_start3A_587 = tpu.memref_squeeze %dma_start3A_586 : memref<1x100xi32, #tpu.memory_space<vmem>> -> memref<100xi32, #tpu.memory_space<vmem>>
        %dma_start3A_588 = arith.constant 0 : i32
        %dma_start3A_589 = arith.constant 0 : i32
        %dma_start3A_590 = tpu.memref_slice %arg3[%dma_start3A_588, %dma_start3A_589] : memref<100000x128xf32, #tpu.memory_space<hbm>> -> memref<100000x128xf32, #tpu.memory_space<hbm>>
        tpu.enqueue_indirect_dma source(%dma_start3A_590 : memref<100000x128xf32, #tpu.memory_space<hbm>>) target(%arg10 : memref<100x128xf32, #tpu.memory_space<vmem>>) offsets(%dma_start3A_587 : memref<100xi32, #tpu.memory_space<vmem>>) semaphore(%arg18 : memref<!tpu.dma_semaphore, #tpu.memory_space<semaphore_mem>>)
      } else {
      }
      %dma_wait3A_417 = arith.constant 0 : i32
      %dma_wait3A_418 = tpu.memref_slice %arg5[%add3A_402, %dma_wait3A_417] : memref<64x100xi32, #tpu.memory_space<vmem>> -> memref<1x100xi32, #tpu.memory_space<vmem>>
      %dma_wait3A_419 = tpu.memref_squeeze %dma_wait3A_418 : memref<1x100xi32, #tpu.memory_space<vmem>> -> memref<100xi32, #tpu.memory_space<vmem>>
      %dma_wait3A_420 = arith.constant 0 : i32
      %dma_wait3A_421 = arith.constant 0 : i32
      %dma_wait3A_422 = tpu.memref_slice %arg3[%dma_wait3A_420, %dma_wait3A_421] : memref<100000x128xf32, #tpu.memory_space<hbm>> -> memref<100000x128xf32, #tpu.memory_space<hbm>>
      tpu.wait_indirect_dma semaphore(%arg19 : memref<!tpu.dma_semaphore, #tpu.memory_space<semaphore_mem>>) src(%dma_wait3A_422 : memref<100000x128xf32, #tpu.memory_space<hbm>>) dst(%arg11 : memref<100x128xf32, #tpu.memory_space<vmem>>)
      %mul3A_423 = arith.constant 2 : i32
      %mul3A_424 = arith.muli %add3A_402, %mul3A_423 : i32
      %add3A_425 = arith.addi %mul3A_4, %mul3A_424 : i32
      %add3A_426 = arith.constant 0 : i32
      %add3A_427 = arith.addi %add3A_425, %add3A_426 : i32
      %dma_start3A_428 = arith.constant 0 : i32
      %dma_start3A_429 = arith.constant 0 : i32
      %dma_start3A_430 = tpu.memref_slice %arg11[%dma_start3A_428, %dma_start3A_429] : memref<100x128xf32, #tpu.memory_space<vmem>> -> memref<50x128xf32, #tpu.memory_space<vmem>>
      %dma_start3A_431 = arith.constant 0 : i32
      %dma_start3A_432 = arith.constant 0 : i32
      %dma_start3A_433 = tpu.memref_slice %arg4[%add3A_427, %dma_start3A_431, %dma_start3A_432] : memref<4096x50x128xf32, #tpu.memory_space<hbm>> -> memref<1x50x128xf32, #tpu.memory_space<hbm>>
      %dma_start3A_434 = tpu.memref_squeeze %dma_start3A_433 : memref<1x50x128xf32, #tpu.memory_space<hbm>> -> memref<50x128xf32, #tpu.memory_space<hbm>>
      %dma_start3A_435 = arith.constant 0 : i32
      %dma_start3A_436 = arith.constant 0 : i32
      %dma_start3A_437 = tpu.memref_slice %arg4[%add3A_427, %dma_start3A_435, %dma_start3A_436] : memref<4096x50x128xf32, #tpu.memory_space<hbm>> -> memref<1x50x128xf32, #tpu.memory_space<hbm>>
      %dma_start3A_438 = tpu.memref_squeeze %dma_start3A_437 : memref<1x50x128xf32, #tpu.memory_space<hbm>> -> memref<50x128xf32, #tpu.memory_space<hbm>>
      %dma_start3A_439 = arith.constant 0 : i32
      %dma_start3A_440 = arith.constant 0 : i32
      %dma_start3A_441 = tpu.memref_slice %arg11[%dma_start3A_439, %dma_start3A_440] : memref<100x128xf32, #tpu.memory_space<vmem>> -> memref<50x128xf32, #tpu.memory_space<vmem>>
      tpu.enqueue_dma source(%dma_start3A_441 : memref<50x128xf32, #tpu.memory_space<vmem>>) target(%dma_start3A_438 : memref<50x128xf32, #tpu.memory_space<hbm>>) target_semaphore(%arg27 : memref<!tpu.dma_semaphore, #tpu.memory_space<semaphore_mem>>)
      %mul3A_442 = arith.constant 2 : i32
      %mul3A_443 = arith.muli %add3A_402, %mul3A_442 : i32
      %add3A_444 = arith.addi %mul3A_4, %mul3A_443 : i32
      %add3A_445 = arith.constant 1 : i32
      %add3A_446 = arith.addi %add3A_444, %add3A_445 : i32
      %dma_start3A_447 = arith.constant 50 : i32
      %dma_start3A_448 = arith.constant 0 : i32
      %dma_start3A_449 = tpu.memref_slice %arg11[%dma_start3A_447, %dma_start3A_448] : memref<100x128xf32, #tpu.memory_space<vmem>> -> memref<50x128xf32, #tpu.memory_space<vmem>>
      %dma_start3A_450 = arith.constant 0 : i32
      %dma_start3A_451 = arith.constant 0 : i32
      %dma_start3A_452 = tpu.memref_slice %arg4[%add3A_446, %dma_start3A_450, %dma_start3A_451] : memref<4096x50x128xf32, #tpu.memory_space<hbm>> -> memref<1x50x128xf32, #tpu.memory_space<hbm>>
      %dma_start3A_453 = tpu.memref_squeeze %dma_start3A_452 : memref<1x50x128xf32, #tpu.memory_space<hbm>> -> memref<50x128xf32, #tpu.memory_space<hbm>>
      %dma_start3A_454 = arith.constant 0 : i32
      %dma_start3A_455 = arith.constant 0 : i32
      %dma_start3A_456 = tpu.memref_slice %arg4[%add3A_446, %dma_start3A_454, %dma_start3A_455] : memref<4096x50x128xf32, #tpu.memory_space<hbm>> -> memref<1x50x128xf32, #tpu.memory_space<hbm>>
      %dma_start3A_457 = tpu.memref_squeeze %dma_start3A_456 : memref<1x50x128xf32, #tpu.memory_space<hbm>> -> memref<50x128xf32, #tpu.memory_space<hbm>>
      %dma_start3A_458 = arith.constant 50 : i32
      %dma_start3A_459 = arith.constant 0 : i32
      %dma_start3A_460 = tpu.memref_slice %arg11[%dma_start3A_458, %dma_start3A_459] : memref<100x128xf32, #tpu.memory_space<vmem>> -> memref<50x128xf32, #tpu.memory_space<vmem>>
      tpu.enqueue_dma source(%dma_start3A_460 : memref<50x128xf32, #tpu.memory_space<vmem>>) target(%dma_start3A_457 : memref<50x128xf32, #tpu.memory_space<hbm>>) target_semaphore(%arg27 : memref<!tpu.dma_semaphore, #tpu.memory_space<semaphore_mem>>)
      %mul3A_461 = arith.constant 8 : i32
      %mul3A_462 = arith.muli %scan3A_93, %mul3A_461 : i32
      %add3A_463 = arith.constant 6 : i32
      %add3A_464 = arith.addi %mul3A_462, %add3A_463 : i32
      %add3A_465 = arith.constant 8 : i32
      %add3A_466 = arith.addi %add3A_464, %add3A_465 : i32
      %sub3A_467 = arith.constant 1 : i32
      %sub3A_468 = arith.subi %add3A_466, %sub3A_467 : i32
      %gt3A_469 = arith.constant 0 : i32
      %gt3A_470 = arith.cmpi sgt, %add3A_464, %gt3A_469 : i32
      %convert_element_type3A_471 = arith.extui %gt3A_470 : i1 to i32
      %cond3A_472 = arith.constant 0 : i32
      %cond3A_473 = arith.cmpi ne, %convert_element_type3A_471, %cond3A_472 : i32
      scf.if %cond3A_473 {
        %sub3A_585 = arith.constant 1 : i32
        %sub3A_586 = arith.subi %add3A_464, %sub3A_585 : i32
        %mul3A_587 = arith.constant 2 : i32
        %mul3A_588 = arith.muli %sub3A_586, %mul3A_587 : i32
        %add3A_589 = arith.addi %mul3A_4, %mul3A_588 : i32
        %add3A_590 = arith.constant 0 : i32
        %add3A_591 = arith.addi %add3A_589, %add3A_590 : i32
        %dma_wait3A_592 = arith.constant 0 : i32
        %dma_wait3A_593 = arith.constant 0 : i32
        %dma_wait3A_594 = tpu.memref_slice %arg11[%dma_wait3A_592, %dma_wait3A_593] : memref<100x128xf32, #tpu.memory_space<vmem>> -> memref<50x128xf32, #tpu.memory_space<vmem>>
        %dma_wait3A_595 = arith.constant 0 : i32
        %dma_wait3A_596 = arith.constant 0 : i32
        %dma_wait3A_597 = tpu.memref_slice %arg4[%add3A_591, %dma_wait3A_595, %dma_wait3A_596] : memref<4096x50x128xf32, #tpu.memory_space<hbm>> -> memref<1x50x128xf32, #tpu.memory_space<hbm>>
        %dma_wait3A_598 = tpu.memref_squeeze %dma_wait3A_597 : memref<1x50x128xf32, #tpu.memory_space<hbm>> -> memref<50x128xf32, #tpu.memory_space<hbm>>
        %dma_wait3A_599 = arith.constant 0 : i32
        %dma_wait3A_600 = arith.constant 0 : i32
        %dma_wait3A_601 = tpu.memref_slice %arg4[%add3A_591, %dma_wait3A_599, %dma_wait3A_600] : memref<4096x50x128xf32, #tpu.memory_space<hbm>> -> memref<1x50x128xf32, #tpu.memory_space<hbm>>
        %dma_wait3A_602 = tpu.memref_squeeze %dma_wait3A_601 : memref<1x50x128xf32, #tpu.memory_space<hbm>> -> memref<50x128xf32, #tpu.memory_space<hbm>>
        %dma_wait3A_603 = arith.constant 0 : i32
        %dma_wait3A_604 = arith.constant 0 : i32
        %dma_wait3A_605 = tpu.memref_slice %arg11[%dma_wait3A_603, %dma_wait3A_604] : memref<100x128xf32, #tpu.memory_space<vmem>> -> memref<50x128xf32, #tpu.memory_space<vmem>>
        tpu.wait_dma2 semaphore(%arg27 : memref<!tpu.dma_semaphore, #tpu.memory_space<semaphore_mem>>) src(%dma_wait3A_605 : memref<50x128xf32, #tpu.memory_space<vmem>>) dst(%dma_wait3A_602 : memref<50x128xf32, #tpu.memory_space<hbm>>)
        %mul3A_606 = arith.constant 2 : i32
        %mul3A_607 = arith.muli %sub3A_586, %mul3A_606 : i32
        %add3A_608 = arith.addi %mul3A_4, %mul3A_607 : i32
        %add3A_609 = arith.constant 1 : i32
        %add3A_610 = arith.addi %add3A_608, %add3A_609 : i32
        %dma_wait3A_611 = arith.constant 50 : i32
        %dma_wait3A_612 = arith.constant 0 : i32
        %dma_wait3A_613 = tpu.memref_slice %arg11[%dma_wait3A_611, %dma_wait3A_612] : memref<100x128xf32, #tpu.memory_space<vmem>> -> memref<50x128xf32, #tpu.memory_space<vmem>>
        %dma_wait3A_614 = arith.constant 0 : i32
        %dma_wait3A_615 = arith.constant 0 : i32
        %dma_wait3A_616 = tpu.memref_slice %arg4[%add3A_610, %dma_wait3A_614, %dma_wait3A_615] : memref<4096x50x128xf32, #tpu.memory_space<hbm>> -> memref<1x50x128xf32, #tpu.memory_space<hbm>>
        %dma_wait3A_617 = tpu.memref_squeeze %dma_wait3A_616 : memref<1x50x128xf32, #tpu.memory_space<hbm>> -> memref<50x128xf32, #tpu.memory_space<hbm>>
        %dma_wait3A_618 = arith.constant 0 : i32
        %dma_wait3A_619 = arith.constant 0 : i32
        %dma_wait3A_620 = tpu.memref_slice %arg4[%add3A_610, %dma_wait3A_618, %dma_wait3A_619] : memref<4096x50x128xf32, #tpu.memory_space<hbm>> -> memref<1x50x128xf32, #tpu.memory_space<hbm>>
        %dma_wait3A_621 = tpu.memref_squeeze %dma_wait3A_620 : memref<1x50x128xf32, #tpu.memory_space<hbm>> -> memref<50x128xf32, #tpu.memory_space<hbm>>
        %dma_wait3A_622 = arith.constant 50 : i32
        %dma_wait3A_623 = arith.constant 0 : i32
        %dma_wait3A_624 = tpu.memref_slice %arg11[%dma_wait3A_622, %dma_wait3A_623] : memref<100x128xf32, #tpu.memory_space<vmem>> -> memref<50x128xf32, #tpu.memory_space<vmem>>
        tpu.wait_dma2 semaphore(%arg27 : memref<!tpu.dma_semaphore, #tpu.memory_space<semaphore_mem>>) src(%dma_wait3A_624 : memref<50x128xf32, #tpu.memory_space<vmem>>) dst(%dma_wait3A_621 : memref<50x128xf32, #tpu.memory_space<hbm>>)
      } else {
      }
      %lt3A_474 = arith.constant 64 : i32
      %lt3A_475 = arith.cmpi slt, %sub3A_468, %lt3A_474 : i32
      %convert_element_type3A_476 = arith.extui %lt3A_475 : i1 to i32
      %cond3A_477 = arith.constant 0 : i32
      %cond3A_478 = arith.cmpi ne, %convert_element_type3A_476, %cond3A_477 : i32
      scf.if %cond3A_478 {
        %dma_start3A_585 = arith.constant 0 : i32
        %dma_start3A_586 = tpu.memref_slice %arg5[%sub3A_468, %dma_start3A_585] : memref<64x100xi32, #tpu.memory_space<vmem>> -> memref<1x100xi32, #tpu.memory_space<vmem>>
        %dma_start3A_587 = tpu.memref_squeeze %dma_start3A_586 : memref<1x100xi32, #tpu.memory_space<vmem>> -> memref<100xi32, #tpu.memory_space<vmem>>
        %dma_start3A_588 = arith.constant 0 : i32
        %dma_start3A_589 = arith.constant 0 : i32
        %dma_start3A_590 = tpu.memref_slice %arg3[%dma_start3A_588, %dma_start3A_589] : memref<100000x128xf32, #tpu.memory_space<hbm>> -> memref<100000x128xf32, #tpu.memory_space<hbm>>
        tpu.enqueue_indirect_dma source(%dma_start3A_590 : memref<100000x128xf32, #tpu.memory_space<hbm>>) target(%arg11 : memref<100x128xf32, #tpu.memory_space<vmem>>) offsets(%dma_start3A_587 : memref<100xi32, #tpu.memory_space<vmem>>) semaphore(%arg19 : memref<!tpu.dma_semaphore, #tpu.memory_space<semaphore_mem>>)
      } else {
      }
      %dma_wait3A_479 = arith.constant 0 : i32
      %dma_wait3A_480 = tpu.memref_slice %arg5[%add3A_464, %dma_wait3A_479] : memref<64x100xi32, #tpu.memory_space<vmem>> -> memref<1x100xi32, #tpu.memory_space<vmem>>
      %dma_wait3A_481 = tpu.memref_squeeze %dma_wait3A_480 : memref<1x100xi32, #tpu.memory_space<vmem>> -> memref<100xi32, #tpu.memory_space<vmem>>
      %dma_wait3A_482 = arith.constant 0 : i32
      %dma_wait3A_483 = arith.constant 0 : i32
      %dma_wait3A_484 = tpu.memref_slice %arg3[%dma_wait3A_482, %dma_wait3A_483] : memref<100000x128xf32, #tpu.memory_space<hbm>> -> memref<100000x128xf32, #tpu.memory_space<hbm>>
      tpu.wait_indirect_dma semaphore(%arg20 : memref<!tpu.dma_semaphore, #tpu.memory_space<semaphore_mem>>) src(%dma_wait3A_484 : memref<100000x128xf32, #tpu.memory_space<hbm>>) dst(%arg12 : memref<100x128xf32, #tpu.memory_space<vmem>>)
      %mul3A_485 = arith.constant 2 : i32
      %mul3A_486 = arith.muli %add3A_464, %mul3A_485 : i32
      %add3A_487 = arith.addi %mul3A_4, %mul3A_486 : i32
      %add3A_488 = arith.constant 0 : i32
      %add3A_489 = arith.addi %add3A_487, %add3A_488 : i32
      %dma_start3A_490 = arith.constant 0 : i32
      %dma_start3A_491 = arith.constant 0 : i32
      %dma_start3A_492 = tpu.memref_slice %arg12[%dma_start3A_490, %dma_start3A_491] : memref<100x128xf32, #tpu.memory_space<vmem>> -> memref<50x128xf32, #tpu.memory_space<vmem>>
      %dma_start3A_493 = arith.constant 0 : i32
      %dma_start3A_494 = arith.constant 0 : i32
      %dma_start3A_495 = tpu.memref_slice %arg4[%add3A_489, %dma_start3A_493, %dma_start3A_494] : memref<4096x50x128xf32, #tpu.memory_space<hbm>> -> memref<1x50x128xf32, #tpu.memory_space<hbm>>
      %dma_start3A_496 = tpu.memref_squeeze %dma_start3A_495 : memref<1x50x128xf32, #tpu.memory_space<hbm>> -> memref<50x128xf32, #tpu.memory_space<hbm>>
      %dma_start3A_497 = arith.constant 0 : i32
      %dma_start3A_498 = arith.constant 0 : i32
      %dma_start3A_499 = tpu.memref_slice %arg4[%add3A_489, %dma_start3A_497, %dma_start3A_498] : memref<4096x50x128xf32, #tpu.memory_space<hbm>> -> memref<1x50x128xf32, #tpu.memory_space<hbm>>
      %dma_start3A_500 = tpu.memref_squeeze %dma_start3A_499 : memref<1x50x128xf32, #tpu.memory_space<hbm>> -> memref<50x128xf32, #tpu.memory_space<hbm>>
      %dma_start3A_501 = arith.constant 0 : i32
      %dma_start3A_502 = arith.constant 0 : i32
      %dma_start3A_503 = tpu.memref_slice %arg12[%dma_start3A_501, %dma_start3A_502] : memref<100x128xf32, #tpu.memory_space<vmem>> -> memref<50x128xf32, #tpu.memory_space<vmem>>
      tpu.enqueue_dma source(%dma_start3A_503 : memref<50x128xf32, #tpu.memory_space<vmem>>) target(%dma_start3A_500 : memref<50x128xf32, #tpu.memory_space<hbm>>) target_semaphore(%arg28 : memref<!tpu.dma_semaphore, #tpu.memory_space<semaphore_mem>>)
      %mul3A_504 = arith.constant 2 : i32
      %mul3A_505 = arith.muli %add3A_464, %mul3A_504 : i32
      %add3A_506 = arith.addi %mul3A_4, %mul3A_505 : i32
      %add3A_507 = arith.constant 1 : i32
      %add3A_508 = arith.addi %add3A_506, %add3A_507 : i32
      %dma_start3A_509 = arith.constant 50 : i32
      %dma_start3A_510 = arith.constant 0 : i32
      %dma_start3A_511 = tpu.memref_slice %arg12[%dma_start3A_509, %dma_start3A_510] : memref<100x128xf32, #tpu.memory_space<vmem>> -> memref<50x128xf32, #tpu.memory_space<vmem>>
      %dma_start3A_512 = arith.constant 0 : i32
      %dma_start3A_513 = arith.constant 0 : i32
      %dma_start3A_514 = tpu.memref_slice %arg4[%add3A_508, %dma_start3A_512, %dma_start3A_513] : memref<4096x50x128xf32, #tpu.memory_space<hbm>> -> memref<1x50x128xf32, #tpu.memory_space<hbm>>
      %dma_start3A_515 = tpu.memref_squeeze %dma_start3A_514 : memref<1x50x128xf32, #tpu.memory_space<hbm>> -> memref<50x128xf32, #tpu.memory_space<hbm>>
      %dma_start3A_516 = arith.constant 0 : i32
      %dma_start3A_517 = arith.constant 0 : i32
      %dma_start3A_518 = tpu.memref_slice %arg4[%add3A_508, %dma_start3A_516, %dma_start3A_517] : memref<4096x50x128xf32, #tpu.memory_space<hbm>> -> memref<1x50x128xf32, #tpu.memory_space<hbm>>
      %dma_start3A_519 = tpu.memref_squeeze %dma_start3A_518 : memref<1x50x128xf32, #tpu.memory_space<hbm>> -> memref<50x128xf32, #tpu.memory_space<hbm>>
      %dma_start3A_520 = arith.constant 50 : i32
      %dma_start3A_521 = arith.constant 0 : i32
      %dma_start3A_522 = tpu.memref_slice %arg12[%dma_start3A_520, %dma_start3A_521] : memref<100x128xf32, #tpu.memory_space<vmem>> -> memref<50x128xf32, #tpu.memory_space<vmem>>
      tpu.enqueue_dma source(%dma_start3A_522 : memref<50x128xf32, #tpu.memory_space<vmem>>) target(%dma_start3A_519 : memref<50x128xf32, #tpu.memory_space<hbm>>) target_semaphore(%arg28 : memref<!tpu.dma_semaphore, #tpu.memory_space<semaphore_mem>>)
      %mul3A_523 = arith.constant 8 : i32
      %mul3A_524 = arith.muli %scan3A_93, %mul3A_523 : i32
      %add3A_525 = arith.constant 7 : i32
      %add3A_526 = arith.addi %mul3A_524, %add3A_525 : i32
      %add3A_527 = arith.constant 8 : i32
      %add3A_528 = arith.addi %add3A_526, %add3A_527 : i32
      %sub3A_529 = arith.constant 1 : i32
      %sub3A_530 = arith.subi %add3A_528, %sub3A_529 : i32
      %gt3A_531 = arith.constant 0 : i32
      %gt3A_532 = arith.cmpi sgt, %add3A_526, %gt3A_531 : i32
      %convert_element_type3A_533 = arith.extui %gt3A_532 : i1 to i32
      %cond3A_534 = arith.constant 0 : i32
      %cond3A_535 = arith.cmpi ne, %convert_element_type3A_533, %cond3A_534 : i32
      scf.if %cond3A_535 {
        %sub3A_585 = arith.constant 1 : i32
        %sub3A_586 = arith.subi %add3A_526, %sub3A_585 : i32
        %mul3A_587 = arith.constant 2 : i32
        %mul3A_588 = arith.muli %sub3A_586, %mul3A_587 : i32
        %add3A_589 = arith.addi %mul3A_4, %mul3A_588 : i32
        %add3A_590 = arith.constant 0 : i32
        %add3A_591 = arith.addi %add3A_589, %add3A_590 : i32
        %dma_wait3A_592 = arith.constant 0 : i32
        %dma_wait3A_593 = arith.constant 0 : i32
        %dma_wait3A_594 = tpu.memref_slice %arg12[%dma_wait3A_592, %dma_wait3A_593] : memref<100x128xf32, #tpu.memory_space<vmem>> -> memref<50x128xf32, #tpu.memory_space<vmem>>
        %dma_wait3A_595 = arith.constant 0 : i32
        %dma_wait3A_596 = arith.constant 0 : i32
        %dma_wait3A_597 = tpu.memref_slice %arg4[%add3A_591, %dma_wait3A_595, %dma_wait3A_596] : memref<4096x50x128xf32, #tpu.memory_space<hbm>> -> memref<1x50x128xf32, #tpu.memory_space<hbm>>
        %dma_wait3A_598 = tpu.memref_squeeze %dma_wait3A_597 : memref<1x50x128xf32, #tpu.memory_space<hbm>> -> memref<50x128xf32, #tpu.memory_space<hbm>>
        %dma_wait3A_599 = arith.constant 0 : i32
        %dma_wait3A_600 = arith.constant 0 : i32
        %dma_wait3A_601 = tpu.memref_slice %arg4[%add3A_591, %dma_wait3A_599, %dma_wait3A_600] : memref<4096x50x128xf32, #tpu.memory_space<hbm>> -> memref<1x50x128xf32, #tpu.memory_space<hbm>>
        %dma_wait3A_602 = tpu.memref_squeeze %dma_wait3A_601 : memref<1x50x128xf32, #tpu.memory_space<hbm>> -> memref<50x128xf32, #tpu.memory_space<hbm>>
        %dma_wait3A_603 = arith.constant 0 : i32
        %dma_wait3A_604 = arith.constant 0 : i32
        %dma_wait3A_605 = tpu.memref_slice %arg12[%dma_wait3A_603, %dma_wait3A_604] : memref<100x128xf32, #tpu.memory_space<vmem>> -> memref<50x128xf32, #tpu.memory_space<vmem>>
        tpu.wait_dma2 semaphore(%arg28 : memref<!tpu.dma_semaphore, #tpu.memory_space<semaphore_mem>>) src(%dma_wait3A_605 : memref<50x128xf32, #tpu.memory_space<vmem>>) dst(%dma_wait3A_602 : memref<50x128xf32, #tpu.memory_space<hbm>>)
        %mul3A_606 = arith.constant 2 : i32
        %mul3A_607 = arith.muli %sub3A_586, %mul3A_606 : i32
        %add3A_608 = arith.addi %mul3A_4, %mul3A_607 : i32
        %add3A_609 = arith.constant 1 : i32
        %add3A_610 = arith.addi %add3A_608, %add3A_609 : i32
        %dma_wait3A_611 = arith.constant 50 : i32
        %dma_wait3A_612 = arith.constant 0 : i32
        %dma_wait3A_613 = tpu.memref_slice %arg12[%dma_wait3A_611, %dma_wait3A_612] : memref<100x128xf32, #tpu.memory_space<vmem>> -> memref<50x128xf32, #tpu.memory_space<vmem>>
        %dma_wait3A_614 = arith.constant 0 : i32
        %dma_wait3A_615 = arith.constant 0 : i32
        %dma_wait3A_616 = tpu.memref_slice %arg4[%add3A_610, %dma_wait3A_614, %dma_wait3A_615] : memref<4096x50x128xf32, #tpu.memory_space<hbm>> -> memref<1x50x128xf32, #tpu.memory_space<hbm>>
        %dma_wait3A_617 = tpu.memref_squeeze %dma_wait3A_616 : memref<1x50x128xf32, #tpu.memory_space<hbm>> -> memref<50x128xf32, #tpu.memory_space<hbm>>
        %dma_wait3A_618 = arith.constant 0 : i32
        %dma_wait3A_619 = arith.constant 0 : i32
        %dma_wait3A_620 = tpu.memref_slice %arg4[%add3A_610, %dma_wait3A_618, %dma_wait3A_619] : memref<4096x50x128xf32, #tpu.memory_space<hbm>> -> memref<1x50x128xf32, #tpu.memory_space<hbm>>
        %dma_wait3A_621 = tpu.memref_squeeze %dma_wait3A_620 : memref<1x50x128xf32, #tpu.memory_space<hbm>> -> memref<50x128xf32, #tpu.memory_space<hbm>>
        %dma_wait3A_622 = arith.constant 50 : i32
        %dma_wait3A_623 = arith.constant 0 : i32
        %dma_wait3A_624 = tpu.memref_slice %arg12[%dma_wait3A_622, %dma_wait3A_623] : memref<100x128xf32, #tpu.memory_space<vmem>> -> memref<50x128xf32, #tpu.memory_space<vmem>>
        tpu.wait_dma2 semaphore(%arg28 : memref<!tpu.dma_semaphore, #tpu.memory_space<semaphore_mem>>) src(%dma_wait3A_624 : memref<50x128xf32, #tpu.memory_space<vmem>>) dst(%dma_wait3A_621 : memref<50x128xf32, #tpu.memory_space<hbm>>)
      } else {
      }
      %lt3A_536 = arith.constant 64 : i32
      %lt3A_537 = arith.cmpi slt, %sub3A_530, %lt3A_536 : i32
      %convert_element_type3A_538 = arith.extui %lt3A_537 : i1 to i32
      %cond3A_539 = arith.constant 0 : i32
      %cond3A_540 = arith.cmpi ne, %convert_element_type3A_538, %cond3A_539 : i32
      scf.if %cond3A_540 {
        %dma_start3A_585 = arith.constant 0 : i32
        %dma_start3A_586 = tpu.memref_slice %arg5[%sub3A_530, %dma_start3A_585] : memref<64x100xi32, #tpu.memory_space<vmem>> -> memref<1x100xi32, #tpu.memory_space<vmem>>
        %dma_start3A_587 = tpu.memref_squeeze %dma_start3A_586 : memref<1x100xi32, #tpu.memory_space<vmem>> -> memref<100xi32, #tpu.memory_space<vmem>>
        %dma_start3A_588 = arith.constant 0 : i32
        %dma_start3A_589 = arith.constant 0 : i32
        %dma_start3A_590 = tpu.memref_slice %arg3[%dma_start3A_588, %dma_start3A_589] : memref<100000x128xf32, #tpu.memory_space<hbm>> -> memref<100000x128xf32, #tpu.memory_space<hbm>>
        tpu.enqueue_indirect_dma source(%dma_start3A_590 : memref<100000x128xf32, #tpu.memory_space<hbm>>) target(%arg12 : memref<100x128xf32, #tpu.memory_space<vmem>>) offsets(%dma_start3A_587 : memref<100xi32, #tpu.memory_space<vmem>>) semaphore(%arg20 : memref<!tpu.dma_semaphore, #tpu.memory_space<semaphore_mem>>)
      } else {
      }
      %dma_wait3A_541 = arith.constant 0 : i32
      %dma_wait3A_542 = tpu.memref_slice %arg5[%add3A_526, %dma_wait3A_541] : memref<64x100xi32, #tpu.memory_space<vmem>> -> memref<1x100xi32, #tpu.memory_space<vmem>>
      %dma_wait3A_543 = tpu.memref_squeeze %dma_wait3A_542 : memref<1x100xi32, #tpu.memory_space<vmem>> -> memref<100xi32, #tpu.memory_space<vmem>>
      %dma_wait3A_544 = arith.constant 0 : i32
      %dma_wait3A_545 = arith.constant 0 : i32
      %dma_wait3A_546 = tpu.memref_slice %arg3[%dma_wait3A_544, %dma_wait3A_545] : memref<100000x128xf32, #tpu.memory_space<hbm>> -> memref<100000x128xf32, #tpu.memory_space<hbm>>
      tpu.wait_indirect_dma semaphore(%arg21 : memref<!tpu.dma_semaphore, #tpu.memory_space<semaphore_mem>>) src(%dma_wait3A_546 : memref<100000x128xf32, #tpu.memory_space<hbm>>) dst(%arg13 : memref<100x128xf32, #tpu.memory_space<vmem>>)
      %mul3A_547 = arith.constant 2 : i32
      %mul3A_548 = arith.muli %add3A_526, %mul3A_547 : i32
      %add3A_549 = arith.addi %mul3A_4, %mul3A_548 : i32
      %add3A_550 = arith.constant 0 : i32
      %add3A_551 = arith.addi %add3A_549, %add3A_550 : i32
      %dma_start3A_552 = arith.constant 0 : i32
      %dma_start3A_553 = arith.constant 0 : i32
      %dma_start3A_554 = tpu.memref_slice %arg13[%dma_start3A_552, %dma_start3A_553] : memref<100x128xf32, #tpu.memory_space<vmem>> -> memref<50x128xf32, #tpu.memory_space<vmem>>
      %dma_start3A_555 = arith.constant 0 : i32
      %dma_start3A_556 = arith.constant 0 : i32
      %dma_start3A_557 = tpu.memref_slice %arg4[%add3A_551, %dma_start3A_555, %dma_start3A_556] : memref<4096x50x128xf32, #tpu.memory_space<hbm>> -> memref<1x50x128xf32, #tpu.memory_space<hbm>>
      %dma_start3A_558 = tpu.memref_squeeze %dma_start3A_557 : memref<1x50x128xf32, #tpu.memory_space<hbm>> -> memref<50x128xf32, #tpu.memory_space<hbm>>
      %dma_start3A_559 = arith.constant 0 : i32
      %dma_start3A_560 = arith.constant 0 : i32
      %dma_start3A_561 = tpu.memref_slice %arg4[%add3A_551, %dma_start3A_559, %dma_start3A_560] : memref<4096x50x128xf32, #tpu.memory_space<hbm>> -> memref<1x50x128xf32, #tpu.memory_space<hbm>>
      %dma_start3A_562 = tpu.memref_squeeze %dma_start3A_561 : memref<1x50x128xf32, #tpu.memory_space<hbm>> -> memref<50x128xf32, #tpu.memory_space<hbm>>
      %dma_start3A_563 = arith.constant 0 : i32
      %dma_start3A_564 = arith.constant 0 : i32
      %dma_start3A_565 = tpu.memref_slice %arg13[%dma_start3A_563, %dma_start3A_564] : memref<100x128xf32, #tpu.memory_space<vmem>> -> memref<50x128xf32, #tpu.memory_space<vmem>>
      tpu.enqueue_dma source(%dma_start3A_565 : memref<50x128xf32, #tpu.memory_space<vmem>>) target(%dma_start3A_562 : memref<50x128xf32, #tpu.memory_space<hbm>>) target_semaphore(%arg29 : memref<!tpu.dma_semaphore, #tpu.memory_space<semaphore_mem>>)
      %mul3A_566 = arith.constant 2 : i32
      %mul3A_567 = arith.muli %add3A_526, %mul3A_566 : i32
      %add3A_568 = arith.addi %mul3A_4, %mul3A_567 : i32
      %add3A_569 = arith.constant 1 : i32
      %add3A_570 = arith.addi %add3A_568, %add3A_569 : i32
      %dma_start3A_571 = arith.constant 50 : i32
      %dma_start3A_572 = arith.constant 0 : i32
      %dma_start3A_573 = tpu.memref_slice %arg13[%dma_start3A_571, %dma_start3A_572] : memref<100x128xf32, #tpu.memory_space<vmem>> -> memref<50x128xf32, #tpu.memory_space<vmem>>
      %dma_start3A_574 = arith.constant 0 : i32
      %dma_start3A_575 = arith.constant 0 : i32
      %dma_start3A_576 = tpu.memref_slice %arg4[%add3A_570, %dma_start3A_574, %dma_start3A_575] : memref<4096x50x128xf32, #tpu.memory_space<hbm>> -> memref<1x50x128xf32, #tpu.memory_space<hbm>>
      %dma_start3A_577 = tpu.memref_squeeze %dma_start3A_576 : memref<1x50x128xf32, #tpu.memory_space<hbm>> -> memref<50x128xf32, #tpu.memory_space<hbm>>
      %dma_start3A_578 = arith.constant 0 : i32
      %dma_start3A_579 = arith.constant 0 : i32
      %dma_start3A_580 = tpu.memref_slice %arg4[%add3A_570, %dma_start3A_578, %dma_start3A_579] : memref<4096x50x128xf32, #tpu.memory_space<hbm>> -> memref<1x50x128xf32, #tpu.memory_space<hbm>>
      %dma_start3A_581 = tpu.memref_squeeze %dma_start3A_580 : memref<1x50x128xf32, #tpu.memory_space<hbm>> -> memref<50x128xf32, #tpu.memory_space<hbm>>
      %dma_start3A_582 = arith.constant 50 : i32
      %dma_start3A_583 = arith.constant 0 : i32
      %dma_start3A_584 = tpu.memref_slice %arg13[%dma_start3A_582, %dma_start3A_583] : memref<100x128xf32, #tpu.memory_space<vmem>> -> memref<50x128xf32, #tpu.memory_space<vmem>>
      tpu.enqueue_dma source(%dma_start3A_584 : memref<50x128xf32, #tpu.memory_space<vmem>>) target(%dma_start3A_581 : memref<50x128xf32, #tpu.memory_space<hbm>>) target_semaphore(%arg29 : memref<!tpu.dma_semaphore, #tpu.memory_space<semaphore_mem>>)
    }
    %scan3A_57 = arith.constant 8 : i32
    %add3A_58 = arith.constant 126 : i32
    %add3A_59 = arith.addi %mul3A_4, %add3A_58 : i32
    %add3A_60 = arith.constant 0 : i32
    %add3A_61 = arith.addi %add3A_59, %add3A_60 : i32
    %dma_wait3A = arith.constant 0 : i32
    %dma_wait3A_62 = arith.constant 0 : i32
    %dma_wait3A_63 = tpu.memref_slice %arg13[%dma_wait3A, %dma_wait3A_62] : memref<100x128xf32, #tpu.memory_space<vmem>> -> memref<50x128xf32, #tpu.memory_space<vmem>>
    %dma_wait3A_64 = arith.constant 0 : i32
    %dma_wait3A_65 = arith.constant 0 : i32
    %dma_wait3A_66 = tpu.memref_slice %arg4[%add3A_61, %dma_wait3A_64, %dma_wait3A_65] : memref<4096x50x128xf32, #tpu.memory_space<hbm>> -> memref<1x50x128xf32, #tpu.memory_space<hbm>>
    %dma_wait3A_67 = tpu.memref_squeeze %dma_wait3A_66 : memref<1x50x128xf32, #tpu.memory_space<hbm>> -> memref<50x128xf32, #tpu.memory_space<hbm>>
    %dma_wait3A_68 = arith.constant 0 : i32
    %dma_wait3A_69 = arith.constant 0 : i32
    %dma_wait3A_70 = tpu.memref_slice %arg4[%add3A_61, %dma_wait3A_68, %dma_wait3A_69] : memref<4096x50x128xf32, #tpu.memory_space<hbm>> -> memref<1x50x128xf32, #tpu.memory_space<hbm>>
    %dma_wait3A_71 = tpu.memref_squeeze %dma_wait3A_70 : memref<1x50x128xf32, #tpu.memory_space<hbm>> -> memref<50x128xf32, #tpu.memory_space<hbm>>
    %dma_wait3A_72 = arith.constant 0 : i32
    %dma_wait3A_73 = arith.constant 0 : i32
    %dma_wait3A_74 = tpu.memref_slice %arg13[%dma_wait3A_72, %dma_wait3A_73] : memref<100x128xf32, #tpu.memory_space<vmem>> -> memref<50x128xf32, #tpu.memory_space<vmem>>
    tpu.wait_dma2 semaphore(%arg29 : memref<!tpu.dma_semaphore, #tpu.memory_space<semaphore_mem>>) src(%dma_wait3A_74 : memref<50x128xf32, #tpu.memory_space<vmem>>) dst(%dma_wait3A_71 : memref<50x128xf32, #tpu.memory_space<hbm>>)
    %add3A_75 = arith.constant 126 : i32
    %add3A_76 = arith.addi %mul3A_4, %add3A_75 : i32
    %add3A_77 = arith.constant 1 : i32
    %add3A_78 = arith.addi %add3A_76, %add3A_77 : i32
    %dma_wait3A_79 = arith.constant 50 : i32
    %dma_wait3A_80 = arith.constant 0 : i32
    %dma_wait3A_81 = tpu.memref_slice %arg13[%dma_wait3A_79, %dma_wait3A_80] : memref<100x128xf32, #tpu.memory_space<vmem>> -> memref<50x128xf32, #tpu.memory_space<vmem>>
    %dma_wait3A_82 = arith.constant 0 : i32
    %dma_wait3A_83 = arith.constant 0 : i32
    %dma_wait3A_84 = tpu.memref_slice %arg4[%add3A_78, %dma_wait3A_82, %dma_wait3A_83] : memref<4096x50x128xf32, #tpu.memory_space<hbm>> -> memref<1x50x128xf32, #tpu.memory_space<hbm>>
    %dma_wait3A_85 = tpu.memref_squeeze %dma_wait3A_84 : memref<1x50x128xf32, #tpu.memory_space<hbm>> -> memref<50x128xf32, #tpu.memory_space<hbm>>
    %dma_wait3A_86 = arith.constant 0 : i32
    %dma_wait3A_87 = arith.constant 0 : i32
    %dma_wait3A_88 = tpu.memref_slice %arg4[%add3A_78, %dma_wait3A_86, %dma_wait3A_87] : memref<4096x50x128xf32, #tpu.memory_space<hbm>> -> memref<1x50x128xf32, #tpu.memory_space<hbm>>
    %dma_wait3A_89 = tpu.memref_squeeze %dma_wait3A_88 : memref<1x50x128xf32, #tpu.memory_space<hbm>> -> memref<50x128xf32, #tpu.memory_space<hbm>>
    %dma_wait3A_90 = arith.constant 50 : i32
    %dma_wait3A_91 = arith.constant 0 : i32
    %dma_wait3A_92 = tpu.memref_slice %arg13[%dma_wait3A_90, %dma_wait3A_91] : memref<100x128xf32, #tpu.memory_space<vmem>> -> memref<50x128xf32, #tpu.memory_space<vmem>>
    tpu.wait_dma2 semaphore(%arg29 : memref<!tpu.dma_semaphore, #tpu.memory_space<semaphore_mem>>) src(%dma_wait3A_92 : memref<50x128xf32, #tpu.memory_space<vmem>>) dst(%dma_wait3A_89 : memref<50x128xf32, #tpu.memory_space<hbm>>)
    return
  }
}

</mosaic_0001>

<sc_bundles>
// kernel: _gather.3.cloned.1.call-start
scs
__scs_entry_jumppad:
0x0: {  	(pc) =	sbr.rel $0x88, $3  }
0x1: {  	(tag) =	ssettag $0x0;
	lr =	simm.s32 $0x1  }
0x2: {  	[smem:$0x3F9F] =	sst lr;
	_ =	strace $0xD0000000  }
0x3: {  	_ = 	snop  }
0x4: {  	_ = 	snop  }
0x5: {  	_ = 	snop  }
0x6: {  	_ = 	snop  }
0x7: {  	_ = 	snop  }
__scs_overlays_trampoline_lowered:
0x8: {  	[smem:$0x3FAE] =	sst s0  }
0x9: {  	[smem:$0x3FAF] =	sst s1  }
0xa: {  	[smem:$0x3FB0] =	sst s2  }
0xb: {  	[smem:$0x3FB1] =	sst s3  }
0xc: {  	[smem:$0x3FB2] =	sst s4  }
0xd: {  	[smem:$0x3FB3] =	sst s5  }
0xe: {  	[smem:$0x3FB4] =	sst s6  }
0xf: {  	[smem:$0x3FB5] =	sst s7  }
0x10: {  	[smem:$0x3FB6] =	sst s8  }
0x11: {  	[smem:$0x3FB7] =	sst s9;
	s0 =	simm.s32 @!p0 $0x0  }
0x12: {  	s1 =	sld [smem:$0x3F9D];
	s0 =	simm.s32 @p0 $0x1  }
0x13: {  	[smem:$0x3FB8] =	sst s0;
	s0 =	simm.s32 @!p1 $0x0  }
0x14: {  	s2 =	sld [smem:$0x3F9C];
	s0 =	simm.s32 @p1 $0x1  }
0x15: {  	[smem:$0x3FB9] =	sst s0;
	s0 =	simm.s32 @!p2 $0x0  }
0x16: {  	s3 =	sld [smem:$0x3FDB];
	s0 =	simm.s32 @p2 $0x1  }
0x17: {  	s4 =	simm.s32 $0x1BF5;
	[smem:$0x3FBB] =	sst s0  }
0x18: {  	s0 =	sld [smem:$0x3F9E];
	_ =	swait.ge [sflag:s4], $0x0  }
0x19: {  	s7 =	sld [smem:$0x3F9F]  }
0x1a: {  	s8 =	sadd.s32 $0xFFFFE003, lr  }
0x1b: {  	s9 =	sadd.s32 $0xFFFFFEF7, lr;
	s5 =	simm.s32 $0xFFFFFFFF;
	p2 =	slt.u32 s8, $0xFFFFF086  }
0x1c: {  	p1 =	slt.u32 s9, $0xF7A;
	s5 =	simm.s32 @!p2 $0x0  }
0x1d: {  	s5 =	simm.s32 @p1 $0x1;
	p0 =	seq.s32 s7, s2  }
0x1e: {  	s7 =	smul.u32 @!p0 $0xF7A, s2;
	p2 =	seq.s32 @!p0 s5, $0x0  }
0x1f: {  	s9 =	smul.u32 $0xF7A, s1;
	s8 =	simm.s32 @!p0 $0x1BF5;
	p2 =	por !p2, p0  }
0x20: {  	[sflag:s8] =	ssyncset.s32 @!p0 $0xFFFFF086;
	s6 =	sadd.s32 @!p0 s3, s7;
	s7 =	simm.s32 @!p0 $0x108  }
0x21: {  	s3 =	sadd.s32 s3, s9;
	s6 =	sadd.s32 @!p0 $0x88, s6;
	s7 =	simm.s32 @p2 $0x1082  }
0x22: {  	[simem:s7], [sflag:s8] =	dma.local @!p0 [hbm:s6], $0xF7A  }
0x23: {  	s9 =	sor.u32 $0xD0000000, s2;
	s6 =	simm.s32 $0x108;
	_ =	swait.ge @!p0 [sflag:s8], $0x0  }
0x24: {  	s3 =	sadd.s32 $0x88, s3;
	s6 =	simm.s32 @!p1 $0x1082;
	[sflag:s4] =	ssyncset.s32 $0xFFFFF086  }
0x25: {  	[simem:s6], [sflag:s4] =	dma.local [hbm:s3], $0xF7A  }
0x26: {  	[smem:$0x3F9F] =	sst s1;
	(tag) =	ssettag s2;
	_ =	strace s9  }
0x27: {  	s1 =	sld [smem:$0x3FAF]  }
0x28: {  	s2 =	sld [smem:$0x3FB0]  }
0x29: {  	s4 =	sld [smem:$0x3FB2]  }
0x2a: {  	p0 =	seq.s32 s5, $0x0;
	s5 =	sld [smem:$0x3FB3]  }
0x2b: {  	s6 =	sld [smem:$0x3FB4]  }
0x2c: {  	s7 =	sld [smem:$0x3FB5]  }
0x2d: {  	s3 =	simm.s32 $0x108;
	s8 =	sld [smem:$0x3FB6]  }
0x2e: {  	s3 =	simm.s32 @!p0 $0x1082;
	s9 =	sld [smem:$0x3FB7]  }
0x2f: {  	lr =	sadd.s32 s0, s3;
	s0 =	sld [smem:$0x3FAE]  }
0x30: {  	s3 =	sld [smem:$0x3FB1]  }
0x31: {  	[smem:$0x3FBA] =	sst s10  }
0x32: {  	s10 =	sld [smem:$0x3FB8];
	_ =	sdelay $0x3  }
0x33: {  	p0 =	seq.s32 s10, $0x1;
	s10 =	sld [smem:$0x3FBA];
	_ =	sdelay $0x3  }
0x34: {  	[smem:$0x3FBA] =	sst s10  }
0x35: {  	s10 =	sld [smem:$0x3FB9];
	_ =	sdelay $0x3  }
0x36: {  	p1 =	seq.s32 s10, $0x1;
	s10 =	sld [smem:$0x3FBA];
	_ =	sdelay $0x3  }
0x37: {  	[smem:$0x3FBA] =	sst s10  }
0x38: {  	s10 =	sld [smem:$0x3FBB]  }
0x39: {  	_ = 	snop;
	(pc) =	sbr.ind lr, $3  }
0x3a: {  	_ = 	snop  }
0x3b: {  	_ = 	snop  }
0x3c: {  	p2 =	seq.s32 s10, $0x1;
	s10 =	sld [smem:$0x3FBA]  }
0x3d: {  	_ =	shalt  }
0x3e: {  	_ =	shalt  }
0x3f: {  	_ =	shalt  }
0x40: {  	_ =	shalt  }
0x41: {  	_ =	shalt  }
0x42: {  	_ =	shalt  }
0x43: {  	_ =	shalt  }
0x44: {  	_ =	shalt  }
0x45: {  	_ =	shalt  }
0x46: {  	_ =	shalt  }
0x47: {  	_ =	shalt  }
0x48: {  	_ =	shalt  }
0x49: {  	_ =	shalt  }
0x4a: {  	_ =	shalt  }
0x4b: {  	_ =	shalt  }
0x4c: {  	_ =	shalt  }
0x4d: {  	_ =	shalt  }
0x4e: {  	_ =	shalt  }
0x4f: {  	_ =	shalt  }
0x50: {  	_ =	shalt  }
0x51: {  	_ =	shalt  }
0x52: {  	_ =	shalt  }
0x53: {  	_ =	shalt  }
0x54: {  	_ =	shalt  }
0x55: {  	_ =	shalt  }
0x56: {  	_ =	shalt  }
0x57: {  	_ =	shalt  }
0x58: {  	_ =	shalt  }
0x59: {  	_ =	shalt  }
0x5a: {  	_ =	shalt  }
0x5b: {  	_ =	shalt  }
0x5c: {  	_ =	shalt  }
0x5d: {  	_ =	shalt  }
0x5e: {  	_ =	shalt  }
0x5f: {  	_ =	shalt  }
0x60: {  	_ =	shalt  }
0x61: {  	_ =	shalt  }
0x62: {  	_ =	shalt  }
0x63: {  	_ =	shalt  }
0x64: {  	_ =	shalt  }
0x65: {  	_ =	shalt  }
0x66: {  	_ =	shalt  }
0x67: {  	_ =	shalt  }
0x68: {  	_ =	shalt  }
0x69: {  	_ =	shalt  }
0x6a: {  	_ =	shalt  }
0x6b: {  	_ =	shalt  }
0x6c: {  	_ =	shalt  }
0x6d: {  	_ =	shalt  }
0x6e: {  	_ =	shalt  }
0x6f: {  	_ =	shalt  }
0x70: {  	_ =	shalt  }
0x71: {  	_ =	shalt  }
0x72: {  	_ =	shalt  }
0x73: {  	_ =	shalt  }
0x74: {  	_ =	shalt  }
0x75: {  	_ =	shalt  }
0x76: {  	_ =	shalt  }
0x77: {  	_ =	shalt  }
0x78: {  	_ =	shalt  }
0x79: {  	_ =	shalt  }
0x7a: {  	_ =	shalt  }
0x7b: {  	_ =	shalt  }
0x7c: {  	_ =	shalt  }
0x7d: {  	_ =	shalt  }
0x7e: {  	_ =	shalt  }
0x7f: {  	_ =	shalt  }
0x80: {  	_ =	shalt  }
0x81: {  	_ =	shalt  }
0x82: {  	_ =	shalt  }
0x83: {  	_ =	shalt  }
0x84: {  	_ =	shalt  }
0x85: {  	_ =	shalt  }
0x86: {  	_ =	shalt  }
0x87: {  	_ =	shalt  }
.Lfunc_end0:
.L_simem_size_0:
called_computation_lowered:
.L_overlay_start_0:
0x88: {  	s2 =	sld [smem:$0x3FD9]  }
0x89: {  	s3 =	sld [smem:$0x3FFE];
	_ =	sdelay $0x1  }
0x8a: {  	s1 =	srdreg.scid  }
0x8b: {  	s0 =	sand.u32 $0x1, s1  }
0x8c: {  	s17 =	sshll.u32 s0, $0xA;
	s2 =	sadd.s32 s3, s2  }
0x8d: {  	s2 =	sadd.s32 s2, s17  }
0x8e: {  	[smem:$0x3FC6] =	sst s2  }
0x8f: {  	_ = 	snop  }
0x90: {  	s2 =	sld [smem:$0x3FC9]  }
0x91: {  	s18 =	sld [smem:$0x3FC8];
	(tm) =	ssettm $0x1  }
0x92: {  	s4 =	sld [smem:$0x3FFB];
	_ =	sdelay $0x3  }
0x93: {  	_ =	strace s4  }
0x94: {  	s4 =	sld [smem:$0x3FFC];
	_ =	sdelay $0x3  }
0x95: {  	_ =	strace s4  }
0x96: {  	s4 =	sld [smem:$0x3FFD];
	_ =	sdelay $0x3  }
0x97: {  	_ =	strace s4  }
0x98: {  	_ =	strace $0x8FFFFFFF  }
0x99: {  	s19 =	sld [smem:$0x3FDB];
	_ =	sdelay $0x1  }
0x9a: {  	s5 =	simm.s32 $_scs_section_size  }
0x9b: {  	s6 =	simm.s32 $_size__tile_overlayer_lowered;
	s7 =	simm.s32 $_tile_overlayer_lowered  }
0x9c: {  	s22 =	simm.s32 $0x1BFF;
	s21 =	sshll.u32 s7, $0x1;
	s4 =	sadd.s32 s5, s19  }
0x9d: {  	s8 =	simm.s32 $0x0;
	s20 =	sshll.u32 s6, $0x1;
	s6 =	sadd.s32 s21, s4  }
0x9e: {  	[timem:s8], [sflag:s22] =	dma.local [hbm:s6], s20  }
0x9f: {  	_ =	swait.ge [sflag:s22], s20  }
0xa0: {  	s5 =	ssub.s32 $0x0, s20;
	[sflag:s22] =	ssyncset.done $0x0  }
0xa1: {  	[sflag:s22] =	ssyncadd.s32 s5;
	_ =	sdelay $0x1  }
0xa2: {  	s23 =	simm.s32 $0x1B8B  }
0xa3: {  	_ =	swait.ge [sflag:s23], $0x1  }
0xa4: {  	[sflag:s23] =	ssyncset.done $0x0  }
0xa5: {  	s25 =	simm.s32 $0x1B8E;
	s24 =	sld [smem:$0x3FFE];
	[sflag:s23] =	ssyncadd.s32 $0xFFFFFFFF  }
0xa6: {  	s26 =	simm.s32 $execute0_lowered;
	[smem:$0x3FD2] =	sst s25  }
0xa7: {  	s6 =	sshll.u32 s26, $0x1;
	_ =	strace $0x80000046;
	[dreg:$0x1] =	wrdreg $0xFFFFFFFF  }
0xa8: {  	s28 =	simm.s32 $_size_execute0_lowered;
	s4 =	sadd.s32 s4, s6;
	[dreg:$0x0] =	wrdreg $0x0  }
0xa9: {  	s6 =	sshll.u32 s28, $0x1;
	[dreg:$0x2] =	wrdreg s4  }
0xaa: {  	[dreg:$0x3] =	wrdreg s6  }
0xab: {  	[dreg:$0x4] =	wrdreg $0xC0  }
0xac: {  	_ =	task [dreg:s8], $0x5FFFF  }
0xad: {  	[dreg:$0x1] =	wrdreg $0xFFFFFFFF  }
0xae: {  	[dreg:$0x0] =	wrdreg $0x60  }
0xaf: {  	[dreg:$0x2] =	wrdreg s2  }
0xb0: {  	[dreg:$0x3] =	wrdreg s18  }
0xb1: {  	[dreg:$0x4] =	wrdreg s24  }
0xb2: {  	[dreg:$0x5] =	wrdreg $0x9  }
0xb3: {  	_ =	task.clear_ibuf [dreg:s8], $0x6FFFF;
	_ =	strace $0x90000046  }
0xb4: {  	s29 =	simm.s32 $0x9;
	_ =	strace $0x80000048  }
0xb5: {  	_ =	swait.ge [sflag:s29], $0x1  }
0xb6: {  	[sflag:s29] =	ssyncadd.s32 $0xFFFFFFFF  }
0xb7: {  	_ =	strace $0x90000048  }
0xb8: {  	_ =	sfence  }
0xb9: {  	s30 =	sld [smem:$0x0];
	_ =	sdelay $0x2  }
0xba: {  	s31 =	sshll.u32 s1, $0xD;
	s1 =	sshrl.u32 s1, $0x2  }
0xbb: {  	s3 =	sand.u32 $0x4000, s31;
	s1 =	sadd.s32 s1, s30  }
0xbc: {  	s0 =	sor.u32 s3, s0;
	s1 =	sshll.u32 s1, $0x11  }
0xbd: {  	s0 =	sor.u32 s1, s0  }
0xbe: {  	s0 =	sadd.s32 $0x8F2B, s0  }
0xbf: {  	[sflag:s0] =	ssyncadd.remote.s32 $0x1  }
0xc0: {  	_ =	sfence.sel $0xFFFF  }
0xc1: {  	[dreg:$0x0] =	wrdreg $0xFFFFFFFF;
	(pc) =	sbr.abs _section_cstart, $3  }
0xc2: {  	[dreg:$0x1] =	wrdreg $0xFFFFFFFF  }
0xc3: {  	_ =	task.clear_ibuf [dreg:s8], $0x2FFFF;
	_ =	strace $0x9FFFFFFF  }
0xc4: {  	(tm) =	ssettm $0x7FFFFFFF  }
0xc5: {  	_ =	shalt  }
tec
execute0_lowered:
.L_overlay_start_1:
0x0: {  	(tag) =	ssettag $0x1  }
0x1: {  	s0 =	rddreg [dreg:$0x0]  }
0x2: {  	s2 =	rddreg [dreg:$0x1]  }
0x3: {  	s1 =	rddreg [dreg:$0x2];
	s4 =	srdreg.scid  }
0x4: {  	s10 =	stileid.u32;
	s3 =	simm.s32 $0x0;
	s19 =	simm.s32 $0x3900  }
0x5: {  	s28 =	simm.s32 $0xB;
	s29 =	simm.s32 $0x4;
	s30 =	simm.s32 $0xC  }
0x6: {  	s31 =	simm.s32 $0x5;
	s4 =	sand.u32 $0x1, s4;
	s5 =	smul.u32 $0x1C0000, s10  }
0x7: {  	[smem:$0x7FF] =	sst s3;
	s21 =	sshll.u32 s10, $0xB;
	s10 =	smul.u32 $0x38000, s10  }
0x8: {  	s1 =	sadd.s32 $0x400, s1;
	s6 =	smul.u32 $0xE0000, s4;
	_ =	strace $0x80000047  }
0x9: {  	s7 =	ssub.s32 $0x2, s4;
	s9 =	sshll.u32 s4, $0xA;
	s4 =	smul.u32 $0x1C000, s4  }
0xa: {  	[dreg:$0xb] =	wrdreg s19;
	s8 =	sshrl.u32 s7, $0x1;
	s23 =	sadd.s32 s10, s1  }
0xb: {  	s5 =	sadd.s32 s6, s5;
	s20 =	ssub.s32 s7, s8;
	s7 =	sor.u32 s9, s21  }
0xc: {  	s4 =	sadd.s32 s4, s23;
	s21 =	simm.s32 $0xA100;
	s23 =	simm.s32 $0x10900  }
0xd: {  	s9 =	simm.s32 $0xE;
	s6 =	simm.s32 $0x0;
	s22 =	sor.u32 $0x16C00, s5  }
0xe: {  	s24 =	sor.u32 $0x13400, s5;
	s26 =	sor.u32 $0xC400, s5;
	[dreg:$0x5] =	wrdreg s4  }
0xf: {  	s13 =	sor.u32 $0x8C00, s5;
	s15 =	sor.u32 $0x5400, s5;
	s5 =	sor.u32 $0x1A400, s5  }
0x10: {  	s0 =	sadd.s32 s0, s7;
	s18 =	smax.u32 s20, $0x1;
	[dreg:$0xd] =	wrdreg s21  }
0x11: {  	s20 =	simm.s32 $0x6D00;
	s21 =	simm.s32 $0x18C00;
	[dreg:$0xf] =	wrdreg s23  }
0x12: {  	s23 =	simm.s32 $0x9;
	s8 =	sshrl.u32 s22, $0x3;
	[dreg:$0x13] =	wrdreg s0  }
0x13: {  	s25 =	sshrl.u32 s24, $0x3;
	s11 =	sshrl.u32 s26, $0x3;
	[dreg:$0x14] =	wrdreg s18  }
0x14: {  	s14 =	sshrl.u32 s13, $0x3;
	[dreg:$0xc] =	wrdreg s20;
	s22 =	simm.s32 $0xD500  }
0x15: {  	s5 =	sshrl.u32 s5, $0x3;
	s24 =	simm.s32 $0x13D00;
	[dreg:$0xe] =	wrdreg s22  }
0x16: {  	s26 =	simm.s32 $0x1A500;
	s0 =	simm.s32 $0xD;
	[dreg:$0x10] =	wrdreg s24  }
0x17: {  	s13 =	simm.s32 $0xF;
	s8 =	sadd.s32 s8, s1;
	[dreg:$0x12] =	wrdreg s26  }
0x18: {  	s18 =	simm.s32 $0x5400;
	s10 =	sadd.s32 s25, s1;
	[dreg:$0x4] =	wrdreg s8  }
0x19: {  	s20 =	simm.s32 $0x8800;
	s12 =	sadd.s32 s11, s1;
	[dreg:$0x6] =	wrdreg s10  }
0x1a: {  	s4 =	sadd.s32 s14, s1;
	s17 =	sadd.s32 s5, s1;
	[dreg:$0x7] =	wrdreg s12  }
0x1b: {  	s22 =	simm.s32 $0x1;
	s25 =	simm.s32 $0x17100;
	[dreg:$0x8] =	wrdreg s4  }
0x1c: {  	s24 =	simm.s32 $0x2;
	s26 =	simm.s32 $0x3;
	[dreg:$0xa] =	wrdreg s17  }
0x1d: {  	s11 =	simm.s32 $0x7;
	s8 =	sshrl.u32 s15, $0x3;
	[dreg:$0x11] =	wrdreg s25  }
0x1e: {  	s25 =	simm.s32 $0xA;
	s15 =	simm.s32 $0x8;
	s16 =	sadd.s32 s8, s1  }
0x1f: {  	s1 =	simm.s32 $0x6;
	[dreg:$0x9] =	wrdreg s16;
	s16 =	simm.s32 $0x2000  }
.LBB2_1:
0x20: {  	[dreg:$0x15] =	wrdreg s6  }
0x21: {  	s4 =	rddreg [dreg:$0x13];
	s7 =	simm.s32 $0x11  }
0x22: {  	[tilespmem:s3], [sflag:$0x11] =	stream.linear.gather [hbm4b:s4+s3], $0x2000, $0x38;
	[tilespmem:$0x1C000] =	vst v63  }
0x23: {  	_ =	swait.ge [sflag:s7], $0x2000  }
0x24: {  	[sflag:s7] =	ssyncset.done $0x0  }
0x25: {  	s5 =	simm.s32 $0x64;
	s6 =	simm.s32 $0x2000;
	[sflag:s7] =	ssyncadd.s32 $0xFFFFE000  }
0x26: {  	[tilespmem:s6], [sflag:$0x1] =	stream.indirect.gather [hbm4b:s2+s5], $0x80, s3, s5, $0xb8;
	[tilespmem:$0x1C000] =	vst v63  }
0x27: {  	s8 =	simm.s32 $0x80;
	s7 =	simm.s32 $0x5400  }
0x28: {  	[tilespmem:s7], [sflag:$0x2] =	stream.indirect.gather [hbm4b:s2+s5], $0x80, s8, s5, $0xb8;
	[tilespmem:$0x1C000] =	vst v63  }
0x29: {  	s10 =	simm.s32 $0x100;
	s12 =	simm.s32 $0x8800  }
0x2a: {  	[tilespmem:s12], [sflag:$0x3] =	stream.indirect.gather [hbm4b:s2+s5], $0x80, s10, s5, $0xb8;
	[tilespmem:$0x1C000] =	vst v63  }
0x2b: {  	s14 =	simm.s32 $0x180;
	s17 =	simm.s32 $0xBC00  }
0x2c: {  	[tilespmem:s17], [sflag:$0x4] =	stream.indirect.gather [hbm4b:s2+s5], $0x80, s14, s5, $0xb8;
	[tilespmem:$0x1C000] =	vst v63  }
0x2d: {  	s19 =	simm.s32 $0x200;
	p0 =	por $0x1, $0x1;
	s14 =	simm.s32 $0xF000  }
0x2e: {  	[tilespmem:s14], [sflag:$0x5] =	stream.indirect.gather [hbm4b:s2+s5], $0x80, s19, s5, $0xb8;
	[tilespmem:$0x1C000] =	vst v63  }
0x2f: {  	p0 =	por p0, p0;
	s8 =	simm.s32 $0x280;
	s19 =	simm.s32 $0x12400  }
0x30: {  	[tilespmem:s19], [sflag:$0x6] =	stream.indirect.gather [hbm4b:s2+s5], $0x80, s8, s5, $0xb8;
	[tilespmem:$0x1C000] =	vst v63  }
0x31: {  	s4 =	simm.s32 @!p0 $0x10;
	s10 =	simm.s32 $0x300;
	s8 =	simm.s32 $0x15800  }
0x32: {  	[tilespmem:s8], [sflag:$0x7] =	stream.indirect.gather [hbm4b:s2+s5], $0x80, s10, s5, $0xb8;
	[tilespmem:$0x1C000] =	vst v63  }
0x33: {  	_ =	swait.ge @!p0 [sflag:s4], $0x1900  }
0x34: {  	[sflag:s4] =	ssyncset.done @!p0 $0x0  }
0x35: {  	[sflag:s4] =	ssyncadd.s32 @!p0 $0xFFFFE700  }
0x36: {  	_ =	swait.ge @!p0 [sflag:s4], $0x1900  }
0x37: {  	[sflag:s4] =	ssyncset.done @!p0 $0x0  }
0x38: {  	s10 =	simm.s32 $0x380;
	[sflag:s4] =	ssyncadd.s32 @!p0 $0xFFFFE700  }
0x39: {  	[tilespmem:s21], [sflag:$0x8] =	stream.indirect.gather [hbm4b:s2+s5], $0x80, s10, s5, $0xb8;
	[tilespmem:$0x1C000] =	vst v63  }
0x3a: {  	_ =	swait.ge [sflag:s22], $0x3200  }
0x3b: {  	s8 =	rddreg [dreg:$0x5];
	[sflag:s22] =	ssyncset.done $0x0  }
0x3c: {  	[sflag:s22] =	ssyncadd.s32 $0xFFFFCE00;
	s5 =	sadd.s32 $0x0, s8  }
0x3d: {  	[hbm4b:s5+s3] =	stream.linear.scatter [tilespmem:s6], [sflag:$0x9], $0x1900, $0x38;
	[tilespmem:$0x1C000] =	vst v63  }
0x3e: {  	s10 =	rddreg [dreg:$0xb];
	s8 =	sadd.s32 $0x380, s5  }
0x3f: {  	[hbm4b:s8+s3] =	stream.linear.scatter [tilespmem:s10], [sflag:$0x9], $0x1900, $0x38;
	[tilespmem:$0x1C000] =	vst v63  }
0x40: {  	_ =	swait.ge [sflag:s23], $0x1900  }
0x41: {  	[sflag:s23] =	ssyncset.done $0x0  }
0x42: {  	[sflag:s23] =	ssyncadd.s32 $0xFFFFE700  }
0x43: {  	p0 =	por $0x0, $0x0;
	_ =	swait.ge [sflag:s23], $0x1900  }
0x44: {  	s4 =	simm.s32 @!p0 $0x64;
	[sflag:s23] =	ssyncset.done $0x0  }
0x45: {  	s6 =	simm.s32 @!p0 $0x400;
	s8 =	simm.s32 @!p0 $0x2000;
	[sflag:s23] =	ssyncadd.s32 $0xFFFFE700  }
0x46: {  	[tilespmem:s8], [sflag:$0x1] =	stream.indirect.gather @!p0 [hbm4b:s2+s4], $0x80, s6, s4, $0xb8;
	[tilespmem:$0x1C000] =	vst v63  }
0x47: {  	_ =	swait.ge [sflag:s24], $0x3200  }
0x48: {  	[sflag:s24] =	ssyncset.done $0x0  }
0x49: {  	s8 =	sadd.s32 $0x700, s5;
	s6 =	rddreg [dreg:$0x9];
	[sflag:s24] =	ssyncadd.s32 $0xFFFFCE00  }
0x4a: {  	[hbm4b:s8+s3] =	stream.linear.scatter [tilespmem:s7], [sflag:$0xA], $0x1900, $0x38;
	[tilespmem:$0x1C000] =	vst v63  }
0x4b: {  	s10 =	rddreg [dreg:$0xc];
	s6 =	sadd.s32 $0x0, s6  }
0x4c: {  	[hbm4b:s6+s3] =	stream.linear.scatter [tilespmem:s10], [sflag:$0xA], $0x1900, $0x38;
	[tilespmem:$0x1C000] =	vst v63  }
0x4d: {  	_ =	swait.ge [sflag:s25], $0x1900  }
0x4e: {  	[sflag:s25] =	ssyncset.done $0x0  }
0x4f: {  	[sflag:s25] =	ssyncadd.s32 $0xFFFFE700  }
0x50: {  	_ =	swait.ge [sflag:s25], $0x1900  }
0x51: {  	[sflag:s25] =	ssyncset.done $0x0  }
0x52: {  	s8 =	simm.s32 @!p0 $0x5400;
	s6 =	simm.s32 @!p0 $0x480;
	[sflag:s25] =	ssyncadd.s32 $0xFFFFE700  }
0x53: {  	[tilespmem:s8], [sflag:$0x2] =	stream.indirect.gather @!p0 [hbm4b:s2+s4], $0x80, s6, s4, $0xb8;
	[tilespmem:$0x1C000] =	vst v63  }
0x54: {  	_ =	swait.ge [sflag:s26], $0x3200  }
0x55: {  	[sflag:s26] =	ssyncset.done $0x0  }
0x56: {  	s10 =	sadd.s32 $0xE00, s5;
	s6 =	rddreg [dreg:$0x8];
	[sflag:s26] =	ssyncadd.s32 $0xFFFFCE00  }
0x57: {  	[hbm4b:s10+s3] =	stream.linear.scatter [tilespmem:s12], [sflag:$0xB], $0x1900, $0x38;
	[tilespmem:$0x1C000] =	vst v63  }
0x58: {  	s7 =	rddreg [dreg:$0xd];
	s6 =	sadd.s32 $0x0, s6  }
0x59: {  	[hbm4b:s6+s3] =	stream.linear.scatter [tilespmem:s7], [sflag:$0xB], $0x1900, $0x38;
	[tilespmem:$0x1C000] =	vst v63  }
0x5a: {  	_ =	swait.ge [sflag:s28], $0x1900  }
0x5b: {  	[sflag:s28] =	ssyncset.done $0x0  }
0x5c: {  	[sflag:s28] =	ssyncadd.s32 $0xFFFFE700  }
0x5d: {  	_ =	swait.ge [sflag:s28], $0x1900  }
0x5e: {  	[sflag:s28] =	ssyncset.done $0x0  }
0x5f: {  	s8 =	simm.s32 @!p0 $0x8800;
	s6 =	simm.s32 @!p0 $0x500;
	[sflag:s28] =	ssyncadd.s32 $0xFFFFE700  }
0x60: {  	[tilespmem:s8], [sflag:$0x3] =	stream.indirect.gather @!p0 [hbm4b:s2+s4], $0x80, s6, s4, $0xb8;
	[tilespmem:$0x1C000] =	vst v63  }
0x61: {  	_ =	swait.ge [sflag:s29], $0x3200  }
0x62: {  	[sflag:s29] =	ssyncset.done $0x0  }
0x63: {  	s12 =	sadd.s32 $0x1500, s5;
	s10 =	rddreg [dreg:$0x7];
	[sflag:s29] =	ssyncadd.s32 $0xFFFFCE00  }
0x64: {  	[hbm4b:s12+s3] =	stream.linear.scatter [tilespmem:s17], [sflag:$0xC], $0x1900, $0x38;
	[tilespmem:$0x1C000] =	vst v63  }
0x65: {  	s7 =	rddreg [dreg:$0xe];
	s6 =	sadd.s32 $0x0, s10  }
0x66: {  	[hbm4b:s6+s3] =	stream.linear.scatter [tilespmem:s7], [sflag:$0xC], $0x1900, $0x38;
	[tilespmem:$0x1C000] =	vst v63  }
0x67: {  	_ =	swait.ge [sflag:s30], $0x1900  }
0x68: {  	[sflag:s30] =	ssyncset.done $0x0  }
0x69: {  	[sflag:s30] =	ssyncadd.s32 $0xFFFFE700  }
0x6a: {  	_ =	swait.ge [sflag:s30], $0x1900  }
0x6b: {  	[sflag:s30] =	ssyncset.done $0x0  }
0x6c: {  	s8 =	simm.s32 @!p0 $0xBC00;
	s6 =	simm.s32 @!p0 $0x580;
	[sflag:s30] =	ssyncadd.s32 $0xFFFFE700  }
0x6d: {  	[tilespmem:s8], [sflag:$0x4] =	stream.indirect.gather @!p0 [hbm4b:s2+s4], $0x80, s6, s4, $0xb8;
	[tilespmem:$0x1C000] =	vst v63  }
0x6e: {  	_ =	swait.ge [sflag:s31], $0x3200  }
0x6f: {  	[sflag:s31] =	ssyncset.done $0x0  }
0x70: {  	s8 =	sadd.s32 $0x1C00, s5;
	[sflag:s31] =	ssyncadd.s32 $0xFFFFCE00  }
0x71: {  	[hbm4b:s8+s3] =	stream.linear.scatter [tilespmem:s14], [sflag:$0xD], $0x1900, $0x38;
	[tilespmem:$0x1C000] =	vst v63  }
0x72: {  	s12 =	sadd.s32 $0x1F80, s5;
	s10 =	rddreg [dreg:$0xf]  }
0x73: {  	[hbm4b:s12+s3] =	stream.linear.scatter [tilespmem:s10], [sflag:$0xD], $0x1900, $0x38;
	[tilespmem:$0x1C000] =	vst v63  }
0x74: {  	_ =	swait.ge [sflag:s0], $0x1900  }
0x75: {  	[sflag:s0] =	ssyncset.done $0x0  }
0x76: {  	[sflag:s0] =	ssyncadd.s32 $0xFFFFE700  }
0x77: {  	_ =	swait.ge [sflag:s0], $0x1900  }
0x78: {  	[sflag:s0] =	ssyncset.done $0x0  }
0x79: {  	s6 =	simm.s32 @!p0 $0x600;
	s8 =	simm.s32 @!p0 $0xF000;
	[sflag:s0] =	ssyncadd.s32 $0xFFFFE700  }
0x7a: {  	[tilespmem:s8], [sflag:$0x5] =	stream.indirect.gather @!p0 [hbm4b:s2+s4], $0x80, s6, s4, $0xb8;
	[tilespmem:$0x1C000] =	vst v63  }
0x7b: {  	_ =	swait.ge [sflag:s1], $0x3200  }
0x7c: {  	[sflag:s1] =	ssyncset.done $0x0  }
0x7d: {  	s17 =	sadd.s32 $0x2300, s5;
	s14 =	rddreg [dreg:$0x6];
	[sflag:s1] =	ssyncadd.s32 $0xFFFFCE00  }
0x7e: {  	[hbm4b:s17+s3] =	stream.linear.scatter [tilespmem:s19], [sflag:$0xE], $0x1900, $0x38;
	[tilespmem:$0x1C000] =	vst v63  }
0x7f: {  	s7 =	rddreg [dreg:$0x10];
	s6 =	sadd.s32 $0x0, s14  }
0x80: {  	[hbm4b:s6+s3] =	stream.linear.scatter [tilespmem:s7], [sflag:$0xE], $0x1900, $0x38;
	[tilespmem:$0x1C000] =	vst v63  }
0x81: {  	_ =	swait.ge [sflag:s9], $0x1900  }
0x82: {  	[sflag:s9] =	ssyncset.done $0x0  }
0x83: {  	[sflag:s9] =	ssyncadd.s32 $0xFFFFE700  }
0x84: {  	_ =	swait.ge [sflag:s9], $0x1900  }
0x85: {  	[sflag:s9] =	ssyncset.done $0x0  }
0x86: {  	s8 =	simm.s32 @!p0 $0x12400;
	s6 =	simm.s32 @!p0 $0x680;
	[sflag:s9] =	ssyncadd.s32 $0xFFFFE700  }
0x87: {  	[tilespmem:s8], [sflag:$0x6] =	stream.indirect.gather @!p0 [hbm4b:s2+s4], $0x80, s6, s4, $0xb8;
	[tilespmem:$0x1C000] =	vst v63  }
0x88: {  	_ =	swait.ge [sflag:s11], $0x3200  }
0x89: {  	s14 =	sadd.s32 $0x2A00, s5;
	[sflag:s11] =	ssyncset.done $0x0  }
0x8a: {  	s19 =	simm.s32 $0x15800;
	s12 =	rddreg [dreg:$0x4];
	[sflag:s11] =	ssyncadd.s32 $0xFFFFCE00  }
0x8b: {  	[hbm4b:s14+s3] =	stream.linear.scatter [tilespmem:s19], [sflag:$0xF], $0x1900, $0x38;
	[tilespmem:$0x1C000] =	vst v63  }
0x8c: {  	s17 =	rddreg [dreg:$0x11];
	s6 =	sadd.s32 $0x0, s12  }
0x8d: {  	[hbm4b:s6+s3] =	stream.linear.scatter [tilespmem:s17], [sflag:$0xF], $0x1900, $0x38;
	[tilespmem:$0x1C000] =	vst v63  }
0x8e: {  	_ =	swait.ge [sflag:s13], $0x1900  }
0x8f: {  	[sflag:s13] =	ssyncset.done $0x0  }
0x90: {  	[sflag:s13] =	ssyncadd.s32 $0xFFFFE700  }
0x91: {  	_ =	swait.ge [sflag:s13], $0x1900  }
0x92: {  	p6 =	por $0x0, $0x0;
	[sflag:s13] =	ssyncset.done $0x0  }
0x93: {  	s8 =	simm.s32 @!p0 $0x15800;
	s6 =	simm.s32 $0x700;
	[sflag:s13] =	ssyncadd.s32 $0xFFFFE700  }
0x94: {  	[tilespmem:s8], [sflag:$0x7] =	stream.indirect.gather @!p0 [hbm4b:s2+s4], $0x80, s6, s4, $0xb8;
	[tilespmem:$0x1C000] =	vst v63  }
0x95: {  	s5 =	sadd.s32 $0x3100, s5;
	s17 =	simm.s32 $0x0;
	_ =	swait.ge [sflag:s15], $0x3200  }
0x96: {  	s4 =	simm.s32 $0x3800;
	s6 =	simm.s32 $0x7000;
	[sflag:s15] =	ssyncset.done $0x0  }
0x97: {  	p0 =	por p6, p6;
	s19 =	rddreg [dreg:$0xa];
	[sflag:s15] =	ssyncadd.s32 $0xFFFFCE00  }
0x98: {  	[hbm4b:s5+s3] =	stream.linear.scatter [tilespmem:s21], [sflag:$0x10], $0x1900, $0x38;
	[tilespmem:$0x1C000] =	vst v63  }
0x99: {  	s8 =	simm.s32 @!p0 $0x10;
	s10 =	rddreg [dreg:$0x12];
	s5 =	simm.s32 $0xB00  }
.LBB2_2:
0x9a: {  	s19 =	sadd.s32 s17, s19  }
0x9b: {  	[hbm4b:s19+s3] =	stream.linear.scatter [tilespmem:s10], [sflag:$0x10], $0x1900, $0x38;
	[tilespmem:$0x1C000] =	vst v63  }
0x9c: {  	_ =	swait.ge @!p0 [sflag:s8], $0x1900  }
0x9d: {  	[sflag:s8] =	ssyncset.done @!p0 $0x0  }
0x9e: {  	[sflag:s8] =	ssyncadd.s32 @!p0 $0xFFFFE700  }
0x9f: {  	_ =	swait.ge @!p0 [sflag:s8], $0x1900  }
0xa0: {  	[sflag:s8] =	ssyncset.done @!p0 $0x0  }
0xa1: {  	s7 =	simm.s32 $0x64;
	s10 =	sadd.s32 $0xFFFFFC80, s5;
	[sflag:s8] =	ssyncadd.s32 @!p0 $0xFFFFE700  }
0xa2: {  	[tilespmem:s21], [sflag:$0x8] =	stream.indirect.gather [hbm4b:s2+s7], $0x80, s10, s7, $0xb8;
	[tilespmem:$0x1C000] =	vst v63  }
0xa3: {  	_ =	swait.ge [sflag:s22], $0x3200  }
0xa4: {  	s17 =	smov.u32 s4;
	s12 =	rddreg [dreg:$0x5];
	[sflag:s22] =	ssyncset.done $0x0  }
0xa5: {  	[sflag:s22] =	ssyncadd.s32 $0xFFFFCE00;
	s19 =	sadd.s32 s17, s12  }
0xa6: {  	[hbm4b:s19+s3] =	stream.linear.scatter [tilespmem:s16], [sflag:$0x9], $0x1900, $0x38;
	[tilespmem:$0x1C000] =	vst v63  }
0xa7: {  	s14 =	rddreg [dreg:$0xb];
	s7 =	sadd.s32 $0x380, s19  }
0xa8: {  	[hbm4b:s7+s3] =	stream.linear.scatter [tilespmem:s14], [sflag:$0x9], $0x1900, $0x38;
	[tilespmem:$0x1C000] =	vst v63  }
0xa9: {  	_ =	swait.ge [sflag:s23], $0x1900  }
0xaa: {  	[sflag:s23] =	ssyncset.done $0x0  }
0xab: {  	p2 =	seq.s32 s6, $0x0;
	[sflag:s23] =	ssyncadd.s32 $0xFFFFE700  }
0xac: {  	p0 =	por p2, p2;
	p2 =	seq.s32 s17, $0x18800;
	_ =	swait.ge [sflag:s23], $0x1900  }
0xad: {  	s10 =	sadd.s32 @!p2 $0xFFFFFD00, s5;
	[sflag:s23] =	ssyncset.done $0x0  }
0xae: {  	s8 =	simm.s32 @!p2 $0x64;
	s7 =	simm.s32 @!p2 $0x2000;
	[sflag:s23] =	ssyncadd.s32 $0xFFFFE700  }
0xaf: {  	[tilespmem:s7], [sflag:$0x1] =	stream.indirect.gather @!p2 [hbm4b:s2+s8], $0x80, s10, s8, $0xb8;
	[tilespmem:$0x1C000] =	vst v63  }
0xb0: {  	_ =	swait.ge [sflag:s24], $0x3200  }
0xb1: {  	[sflag:s24] =	ssyncset.done $0x0  }
0xb2: {  	s10 =	sadd.s32 $0x700, s19;
	s14 =	rddreg [dreg:$0x9];
	[sflag:s24] =	ssyncadd.s32 $0xFFFFCE00  }
0xb3: {  	[hbm4b:s10+s3] =	stream.linear.scatter [tilespmem:s18], [sflag:$0xA], $0x1900, $0x38;
	[tilespmem:$0x1C000] =	vst v63  }
0xb4: {  	s12 =	rddreg [dreg:$0xc];
	s14 =	sadd.s32 s17, s14  }
0xb5: {  	[hbm4b:s14+s3] =	stream.linear.scatter [tilespmem:s12], [sflag:$0xA], $0x1900, $0x38;
	[tilespmem:$0x1C000] =	vst v63  }
0xb6: {  	_ =	swait.ge [sflag:s25], $0x1900  }
0xb7: {  	[sflag:s25] =	ssyncset.done $0x0  }
0xb8: {  	[sflag:s25] =	ssyncadd.s32 $0xFFFFE700  }
0xb9: {  	_ =	swait.ge [sflag:s25], $0x1900  }
0xba: {  	[sflag:s25] =	ssyncset.done $0x0  }
0xbb: {  	s7 =	sadd.s32 @!p2 $0xFFFFFD80, s5;
	s10 =	simm.s32 @!p2 $0x5400;
	[sflag:s25] =	ssyncadd.s32 $0xFFFFE700  }
0xbc: {  	[tilespmem:s10], [sflag:$0x2] =	stream.indirect.gather @!p2 [hbm4b:s2+s8], $0x80, s7, s8, $0xb8;
	[tilespmem:$0x1C000] =	vst v63  }
0xbd: {  	_ =	swait.ge [sflag:s26], $0x3200  }
0xbe: {  	[sflag:s26] =	ssyncset.done $0x0  }
0xbf: {  	s10 =	sadd.s32 $0xE00, s19;
	s14 =	rddreg [dreg:$0x8];
	[sflag:s26] =	ssyncadd.s32 $0xFFFFCE00  }
0xc0: {  	[hbm4b:s10+s3] =	stream.linear.scatter [tilespmem:s20], [sflag:$0xB], $0x1900, $0x38;
	[tilespmem:$0x1C000] =	vst v63  }
0xc1: {  	s12 =	rddreg [dreg:$0xd];
	s14 =	sadd.s32 s17, s14  }
0xc2: {  	[hbm4b:s14+s3] =	stream.linear.scatter [tilespmem:s12], [sflag:$0xB], $0x1900, $0x38;
	[tilespmem:$0x1C000] =	vst v63  }
0xc3: {  	_ =	swait.ge [sflag:s28], $0x1900  }
0xc4: {  	[sflag:s28] =	ssyncset.done $0x0  }
0xc5: {  	[sflag:s28] =	ssyncadd.s32 $0xFFFFE700  }
0xc6: {  	_ =	swait.ge [sflag:s28], $0x1900  }
0xc7: {  	[sflag:s28] =	ssyncset.done $0x0  }
0xc8: {  	s7 =	sadd.s32 @!p2 $0xFFFFFE00, s5;
	s10 =	simm.s32 @!p2 $0x8800;
	[sflag:s28] =	ssyncadd.s32 $0xFFFFE700  }
0xc9: {  	[tilespmem:s10], [sflag:$0x3] =	stream.indirect.gather @!p2 [hbm4b:s2+s8], $0x80, s7, s8, $0xb8;
	[tilespmem:$0x1C000] =	vst v63  }
0xca: {  	_ =	swait.ge [sflag:s29], $0x3200  }
0xcb: {  	s14 =	simm.s32 $0xBC00;
	[sflag:s29] =	ssyncset.done $0x0  }
0xcc: {  	s7 =	sadd.s32 $0x1500, s19;
	s10 =	rddreg [dreg:$0x7];
	[sflag:s29] =	ssyncadd.s32 $0xFFFFCE00  }
0xcd: {  	[hbm4b:s7+s3] =	stream.linear.scatter [tilespmem:s14], [sflag:$0xC], $0x1900, $0x38;
	[tilespmem:$0x1C000] =	vst v63  }
0xce: {  	s12 =	rddreg [dreg:$0xe];
	s10 =	sadd.s32 s17, s10  }
0xcf: {  	[hbm4b:s10+s3] =	stream.linear.scatter [tilespmem:s12], [sflag:$0xC], $0x1900, $0x38;
	[tilespmem:$0x1C000] =	vst v63  }
0xd0: {  	_ =	swait.ge [sflag:s30], $0x1900  }
0xd1: {  	[sflag:s30] =	ssyncset.done $0x0  }
0xd2: {  	[sflag:s30] =	ssyncadd.s32 $0xFFFFE700  }
0xd3: {  	_ =	swait.ge [sflag:s30], $0x1900  }
0xd4: {  	[sflag:s30] =	ssyncset.done $0x0  }
0xd5: {  	s7 =	sadd.s32 @!p2 $0xFFFFFE80, s5;
	s10 =	simm.s32 @!p2 $0xBC00;
	[sflag:s30] =	ssyncadd.s32 $0xFFFFE700  }
0xd6: {  	[tilespmem:s10], [sflag:$0x4] =	stream.indirect.gather @!p2 [hbm4b:s2+s8], $0x80, s7, s8, $0xb8;
	[tilespmem:$0x1C000] =	vst v63  }
0xd7: {  	_ =	swait.ge [sflag:s31], $0x3200  }
0xd8: {  	[sflag:s31] =	ssyncset.done $0x0  }
0xd9: {  	s14 =	simm.s32 $0xF000;
	s12 =	sadd.s32 $0x1C00, s19;
	[sflag:s31] =	ssyncadd.s32 $0xFFFFCE00  }
0xda: {  	[hbm4b:s12+s3] =	stream.linear.scatter [tilespmem:s14], [sflag:$0xD], $0x1900, $0x38;
	[tilespmem:$0x1C000] =	vst v63  }
0xdb: {  	s10 =	rddreg [dreg:$0xf];
	s12 =	sadd.s32 $0x1F80, s19  }
0xdc: {  	[hbm4b:s12+s3] =	stream.linear.scatter [tilespmem:s10], [sflag:$0xD], $0x1900, $0x38;
	[tilespmem:$0x1C000] =	vst v63  }
0xdd: {  	_ =	swait.ge [sflag:s0], $0x1900  }
0xde: {  	[sflag:s0] =	ssyncset.done $0x0  }
0xdf: {  	[sflag:s0] =	ssyncadd.s32 $0xFFFFE700  }
0xe0: {  	_ =	swait.ge [sflag:s0], $0x1900  }
0xe1: {  	[sflag:s0] =	ssyncset.done $0x0  }
0xe2: {  	s7 =	sadd.s32 @!p2 $0xFFFFFF00, s5;
	s10 =	simm.s32 @!p2 $0xF000;
	[sflag:s0] =	ssyncadd.s32 $0xFFFFE700  }
0xe3: {  	[tilespmem:s10], [sflag:$0x5] =	stream.indirect.gather @!p2 [hbm4b:s2+s8], $0x80, s7, s8, $0xb8;
	[tilespmem:$0x1C000] =	vst v63  }
0xe4: {  	_ =	swait.ge [sflag:s1], $0x3200  }
0xe5: {  	s14 =	simm.s32 $0x12400;
	[sflag:s1] =	ssyncset.done $0x0  }
0xe6: {  	s7 =	sadd.s32 $0x2300, s19;
	s10 =	rddreg [dreg:$0x6];
	[sflag:s1] =	ssyncadd.s32 $0xFFFFCE00  }
0xe7: {  	[hbm4b:s7+s3] =	stream.linear.scatter [tilespmem:s14], [sflag:$0xE], $0x1900, $0x38;
	[tilespmem:$0x1C000] =	vst v63  }
0xe8: {  	s12 =	rddreg [dreg:$0x10];
	s14 =	sadd.s32 s17, s10  }
0xe9: {  	[hbm4b:s14+s3] =	stream.linear.scatter [tilespmem:s12], [sflag:$0xE], $0x1900, $0x38;
	[tilespmem:$0x1C000] =	vst v63  }
0xea: {  	_ =	swait.ge [sflag:s9], $0x1900  }
0xeb: {  	[sflag:s9] =	ssyncset.done $0x0  }
0xec: {  	[sflag:s9] =	ssyncadd.s32 $0xFFFFE700  }
0xed: {  	_ =	swait.ge [sflag:s9], $0x1900  }
0xee: {  	[sflag:s9] =	ssyncset.done $0x0  }
0xef: {  	s7 =	sadd.s32 @!p2 $0xFFFFFF80, s5;
	s10 =	simm.s32 @!p2 $0x12400;
	[sflag:s9] =	ssyncadd.s32 $0xFFFFE700  }
0xf0: {  	[tilespmem:s10], [sflag:$0x6] =	stream.indirect.gather @!p2 [hbm4b:s2+s8], $0x80, s7, s8, $0xb8;
	[tilespmem:$0x1C000] =	vst v63  }
0xf1: {  	_ =	swait.ge [sflag:s11], $0x3200  }
0xf2: {  	s14 =	simm.s32 $0x15800;
	[sflag:s11] =	ssyncset.done $0x0  }
0xf3: {  	s7 =	sadd.s32 $0x2A00, s19;
	s10 =	rddreg [dreg:$0x4];
	[sflag:s11] =	ssyncadd.s32 $0xFFFFCE00  }
0xf4: {  	[hbm4b:s7+s3] =	stream.linear.scatter [tilespmem:s14], [sflag:$0xF], $0x1900, $0x38;
	[tilespmem:$0x1C000] =	vst v63  }
0xf5: {  	s12 =	rddreg [dreg:$0x11];
	s10 =	sadd.s32 s17, s10  }
0xf6: {  	[hbm4b:s10+s3] =	stream.linear.scatter [tilespmem:s12], [sflag:$0xF], $0x1900, $0x38;
	[tilespmem:$0x1C000] =	vst v63  }
0xf7: {  	_ =	swait.ge [sflag:s13], $0x1900  }
0xf8: {  	[sflag:s13] =	ssyncset.done $0x0  }
0xf9: {  	[sflag:s13] =	ssyncadd.s32 $0xFFFFE700  }
0xfa: {  	_ =	swait.ge [sflag:s13], $0x1900  }
0xfb: {  	s4 =	smov.u32 s6;
	s6 =	sadd.s32 $0x3800, s6;
	[sflag:s13] =	ssyncset.done $0x0  }
0xfc: {  	p1 =	sne.s32 s6, $0x1C000;
	s7 =	simm.s32 @!p2 $0x15800;
	[sflag:s13] =	ssyncadd.s32 $0xFFFFE700  }
0xfd: {  	[tilespmem:s7], [sflag:$0x7] =	stream.indirect.gather @!p2 [hbm4b:s2+s8], $0x80, s5, s8, $0xb8;
	[tilespmem:$0x1C000] =	vst v63  }
.Ltmp0:
0xfe: {  	_ = 	snop;
	(pc) =	sbr.rel @p1 .LBB2_2-.Ltmp0, $4  }
0xff: {  	s14 =	sadd.s32 $0x3100, s19;
	_ =	swait.ge [sflag:s15], $0x3200  }
0x100: {  	s5 =	sadd.s32 $0x400, s5;
	[sflag:s15] =	ssyncset.done $0x0;
	s19 =	rddreg [dreg:$0xa]  }
0x101: {  	s8 =	simm.s32 @!p0 $0x10;
	s10 =	rddreg [dreg:$0x12];
	[sflag:s15] =	ssyncadd.s32 $0xFFFFCE00  }
0x102: {  	[hbm4b:s14+s3] =	stream.linear.scatter [tilespmem:s21], [sflag:$0x10], $0x1900, $0x38;
	[tilespmem:$0x1C000] =	vst v63  }
0x103: {  	s6 =	sadd.s32 s17, s19  }
0x104: {  	[hbm4b:s6+s3] =	stream.linear.scatter [tilespmem:s10], [sflag:$0x10], $0x1900, $0x38;
	[tilespmem:$0x1C000] =	vst v63  }
0x105: {  	_ =	swait.ge @!p0 [sflag:s8], $0x1900  }
0x106: {  	[sflag:s8] =	ssyncset.done @!p0 $0x0  }
0x107: {  	[sflag:s8] =	ssyncadd.s32 @!p0 $0xFFFFE700  }
0x108: {  	_ =	swait.ge @!p0 [sflag:s8], $0x1900  }
0x109: {  	[sflag:s8] =	ssyncset.done @!p0 $0x0  }
0x10a: {  	s7 =	simm.s32 $0x64;
	[sflag:s8] =	ssyncadd.s32 @!p0 $0xFFFFE700;
	s8 =	sadd.s32 $0xFFFFFC80, s5  }
0x10b: {  	[tilespmem:s21], [sflag:$0x8] =	stream.indirect.gather [hbm4b:s2+s7], $0x80, s8, s7, $0xb8;
	[tilespmem:$0x1C000] =	vst v63  }
0x10c: {  	_ =	swait.ge [sflag:s22], $0x3200  }
0x10d: {  	s10 =	rddreg [dreg:$0x5];
	[sflag:s22] =	ssyncset.done $0x0  }
0x10e: {  	[sflag:s22] =	ssyncadd.s32 $0xFFFFCE00;
	s6 =	sadd.s32 s4, s10  }
0x10f: {  	[hbm4b:s6+s3] =	stream.linear.scatter [tilespmem:s16], [sflag:$0x9], $0x1900, $0x38;
	[tilespmem:$0x1C000] =	vst v63  }
0x110: {  	s12 =	rddreg [dreg:$0xb];
	s14 =	sadd.s32 $0x380, s6  }
0x111: {  	[hbm4b:s14+s3] =	stream.linear.scatter [tilespmem:s12], [sflag:$0x9], $0x1900, $0x38;
	[tilespmem:$0x1C000] =	vst v63  }
0x112: {  	_ =	swait.ge [sflag:s23], $0x1900  }
0x113: {  	[sflag:s23] =	ssyncset.done $0x0  }
0x114: {  	[sflag:s23] =	ssyncadd.s32 $0xFFFFE700  }
0x115: {  	p0 =	seq.s32 s4, $0x18800;
	_ =	swait.ge [sflag:s23], $0x1900  }
0x116: {  	s7 =	sadd.s32 @!p0 $0xFFFFFD00, s5;
	[sflag:s23] =	ssyncset.done $0x0  }
0x117: {  	s8 =	simm.s32 @!p0 $0x64;
	s10 =	simm.s32 @!p0 $0x2000;
	[sflag:s23] =	ssyncadd.s32 $0xFFFFE700  }
0x118: {  	[tilespmem:s10], [sflag:$0x1] =	stream.indirect.gather @!p0 [hbm4b:s2+s8], $0x80, s7, s8, $0xb8;
	[tilespmem:$0x1C000] =	vst v63  }
0x119: {  	_ =	swait.ge [sflag:s24], $0x3200  }
0x11a: {  	[sflag:s24] =	ssyncset.done $0x0  }
0x11b: {  	s19 =	sadd.s32 $0x700, s6;
	s17 =	rddreg [dreg:$0x9];
	[sflag:s24] =	ssyncadd.s32 $0xFFFFCE00  }
0x11c: {  	[hbm4b:s19+s3] =	stream.linear.scatter [tilespmem:s18], [sflag:$0xA], $0x1900, $0x38;
	[tilespmem:$0x1C000] =	vst v63  }
0x11d: {  	s12 =	rddreg [dreg:$0xc];
	s7 =	sadd.s32 s4, s17  }
0x11e: {  	[hbm4b:s7+s3] =	stream.linear.scatter [tilespmem:s12], [sflag:$0xA], $0x1900, $0x38;
	[tilespmem:$0x1C000] =	vst v63  }
0x11f: {  	_ =	swait.ge [sflag:s25], $0x1900  }
0x120: {  	[sflag:s25] =	ssyncset.done $0x0  }
0x121: {  	[sflag:s25] =	ssyncadd.s32 $0xFFFFE700  }
0x122: {  	_ =	swait.ge [sflag:s25], $0x1900  }
0x123: {  	[sflag:s25] =	ssyncset.done $0x0  }
0x124: {  	s10 =	simm.s32 @!p0 $0x5400;
	s7 =	sadd.s32 @!p0 $0xFFFFFD80, s5;
	[sflag:s25] =	ssyncadd.s32 $0xFFFFE700  }
0x125: {  	[tilespmem:s10], [sflag:$0x2] =	stream.indirect.gather @!p0 [hbm4b:s2+s8], $0x80, s7, s8, $0xb8;
	[tilespmem:$0x1C000] =	vst v63  }
0x126: {  	_ =	swait.ge [sflag:s26], $0x3200  }
0x127: {  	[sflag:s26] =	ssyncset.done $0x0  }
0x128: {  	s17 =	sadd.s32 $0xE00, s6;
	s14 =	rddreg [dreg:$0x8];
	[sflag:s26] =	ssyncadd.s32 $0xFFFFCE00  }
0x129: {  	[hbm4b:s17+s3] =	stream.linear.scatter [tilespmem:s20], [sflag:$0xB], $0x1900, $0x38;
	[tilespmem:$0x1C000] =	vst v63  }
0x12a: {  	s19 =	rddreg [dreg:$0xd];
	s7 =	sadd.s32 s4, s14  }
0x12b: {  	[hbm4b:s7+s3] =	stream.linear.scatter [tilespmem:s19], [sflag:$0xB], $0x1900, $0x38;
	[tilespmem:$0x1C000] =	vst v63  }
0x12c: {  	_ =	swait.ge [sflag:s28], $0x1900  }
0x12d: {  	[sflag:s28] =	ssyncset.done $0x0  }
0x12e: {  	[sflag:s28] =	ssyncadd.s32 $0xFFFFE700  }
0x12f: {  	_ =	swait.ge [sflag:s28], $0x1900  }
0x130: {  	[sflag:s28] =	ssyncset.done $0x0  }
0x131: {  	s10 =	simm.s32 @!p0 $0x8800;
	s7 =	sadd.s32 @!p0 $0xFFFFFE00, s5;
	[sflag:s28] =	ssyncadd.s32 $0xFFFFE700  }
0x132: {  	[tilespmem:s10], [sflag:$0x3] =	stream.indirect.gather @!p0 [hbm4b:s2+s8], $0x80, s7, s8, $0xb8;
	[tilespmem:$0x1C000] =	vst v63  }
0x133: {  	_ =	swait.ge [sflag:s29], $0x3200  }
0x134: {  	s14 =	simm.s32 $0xBC00;
	[sflag:s29] =	ssyncset.done $0x0  }
0x135: {  	s17 =	sadd.s32 $0x1500, s6;
	s12 =	rddreg [dreg:$0x7];
	[sflag:s29] =	ssyncadd.s32 $0xFFFFCE00  }
0x136: {  	[hbm4b:s17+s3] =	stream.linear.scatter [tilespmem:s14], [sflag:$0xC], $0x1900, $0x38;
	[tilespmem:$0x1C000] =	vst v63  }
0x137: {  	s19 =	rddreg [dreg:$0xe];
	s7 =	sadd.s32 s4, s12  }
0x138: {  	[hbm4b:s7+s3] =	stream.linear.scatter [tilespmem:s19], [sflag:$0xC], $0x1900, $0x38;
	[tilespmem:$0x1C000] =	vst v63  }
0x139: {  	_ =	swait.ge [sflag:s30], $0x1900  }
0x13a: {  	[sflag:s30] =	ssyncset.done $0x0  }
0x13b: {  	[sflag:s30] =	ssyncadd.s32 $0xFFFFE700  }
0x13c: {  	_ =	swait.ge [sflag:s30], $0x1900  }
0x13d: {  	[sflag:s30] =	ssyncset.done $0x0  }
0x13e: {  	s10 =	simm.s32 @!p0 $0xBC00;
	s7 =	sadd.s32 @!p0 $0xFFFFFE80, s5;
	[sflag:s30] =	ssyncadd.s32 $0xFFFFE700  }
0x13f: {  	[tilespmem:s10], [sflag:$0x4] =	stream.indirect.gather @!p0 [hbm4b:s2+s8], $0x80, s7, s8, $0xb8;
	[tilespmem:$0x1C000] =	vst v63  }
0x140: {  	_ =	swait.ge [sflag:s31], $0x3200  }
0x141: {  	[sflag:s31] =	ssyncset.done $0x0  }
0x142: {  	s12 =	sadd.s32 $0x1C00, s6;
	s17 =	simm.s32 $0xF000;
	[sflag:s31] =	ssyncadd.s32 $0xFFFFCE00  }
0x143: {  	[hbm4b:s12+s3] =	stream.linear.scatter [tilespmem:s17], [sflag:$0xD], $0x1900, $0x38;
	[tilespmem:$0x1C000] =	vst v63  }
0x144: {  	s19 =	sadd.s32 $0x1F80, s6;
	s14 =	rddreg [dreg:$0xf]  }
0x145: {  	[hbm4b:s19+s3] =	stream.linear.scatter [tilespmem:s14], [sflag:$0xD], $0x1900, $0x38;
	[tilespmem:$0x1C000] =	vst v63  }
0x146: {  	_ =	swait.ge [sflag:s0], $0x1900  }
0x147: {  	[sflag:s0] =	ssyncset.done $0x0  }
0x148: {  	[sflag:s0] =	ssyncadd.s32 $0xFFFFE700  }
0x149: {  	_ =	swait.ge [sflag:s0], $0x1900  }
0x14a: {  	[sflag:s0] =	ssyncset.done $0x0  }
0x14b: {  	s7 =	sadd.s32 @!p0 $0xFFFFFF00, s5;
	s10 =	simm.s32 @!p0 $0xF000;
	[sflag:s0] =	ssyncadd.s32 $0xFFFFE700  }
0x14c: {  	[tilespmem:s10], [sflag:$0x5] =	stream.indirect.gather @!p0 [hbm4b:s2+s8], $0x80, s7, s8, $0xb8;
	[tilespmem:$0x1C000] =	vst v63  }
0x14d: {  	_ =	swait.ge [sflag:s1], $0x3200  }
0x14e: {  	s14 =	sadd.s32 $0x2300, s6;
	[sflag:s1] =	ssyncset.done $0x0  }
0x14f: {  	s19 =	simm.s32 $0x12400;
	s12 =	rddreg [dreg:$0x6];
	[sflag:s1] =	ssyncadd.s32 $0xFFFFCE00  }
0x150: {  	[hbm4b:s14+s3] =	stream.linear.scatter [tilespmem:s19], [sflag:$0xE], $0x1900, $0x38;
	[tilespmem:$0x1C000] =	vst v63  }
0x151: {  	s17 =	rddreg [dreg:$0x10];
	s7 =	sadd.s32 s4, s12  }
0x152: {  	[hbm4b:s7+s3] =	stream.linear.scatter [tilespmem:s17], [sflag:$0xE], $0x1900, $0x38;
	[tilespmem:$0x1C000] =	vst v63  }
0x153: {  	_ =	swait.ge [sflag:s9], $0x1900  }
0x154: {  	[sflag:s9] =	ssyncset.done $0x0  }
0x155: {  	[sflag:s9] =	ssyncadd.s32 $0xFFFFE700  }
0x156: {  	_ =	swait.ge [sflag:s9], $0x1900  }
0x157: {  	[sflag:s9] =	ssyncset.done $0x0  }
0x158: {  	s10 =	simm.s32 @!p0 $0x12400;
	s7 =	sadd.s32 @!p0 $0xFFFFFF80, s5;
	[sflag:s9] =	ssyncadd.s32 $0xFFFFE700  }
0x159: {  	[tilespmem:s10], [sflag:$0x6] =	stream.indirect.gather @!p0 [hbm4b:s2+s8], $0x80, s7, s8, $0xb8;
	[tilespmem:$0x1C000] =	vst v63  }
0x15a: {  	_ =	swait.ge [sflag:s11], $0x3200  }
0x15b: {  	s14 =	sadd.s32 $0x2A00, s6;
	[sflag:s11] =	ssyncset.done $0x0  }
0x15c: {  	s19 =	simm.s32 $0x15800;
	s12 =	rddreg [dreg:$0x4];
	[sflag:s11] =	ssyncadd.s32 $0xFFFFCE00  }
0x15d: {  	[hbm4b:s14+s3] =	stream.linear.scatter [tilespmem:s19], [sflag:$0xF], $0x1900, $0x38;
	[tilespmem:$0x1C000] =	vst v63  }
0x15e: {  	s17 =	rddreg [dreg:$0x11];
	s7 =	sadd.s32 s4, s12  }
0x15f: {  	[hbm4b:s7+s3] =	stream.linear.scatter [tilespmem:s17], [sflag:$0xF], $0x1900, $0x38;
	[tilespmem:$0x1C000] =	vst v63  }
0x160: {  	_ =	swait.ge [sflag:s13], $0x1900  }
0x161: {  	[sflag:s13] =	ssyncset.done $0x0  }
0x162: {  	[sflag:s13] =	ssyncadd.s32 $0xFFFFE700  }
0x163: {  	_ =	swait.ge [sflag:s13], $0x1900  }
0x164: {  	[sflag:s13] =	ssyncset.done $0x0  }
0x165: {  	s7 =	simm.s32 @!p0 $0x15800;
	[sflag:s13] =	ssyncadd.s32 $0xFFFFE700  }
0x166: {  	[tilespmem:s7], [sflag:$0x7] =	stream.indirect.gather @!p0 [hbm4b:s2+s8], $0x80, s5, s8, $0xb8;
	[tilespmem:$0x1C000] =	vst v63  }
0x167: {  	_ =	swait.ge [sflag:s15], $0x3200  }
0x168: {  	[sflag:s15] =	ssyncset.done $0x0  }
0x169: {  	s6 =	sadd.s32 $0x3100, s6;
	s8 =	rddreg [dreg:$0xa];
	[sflag:s15] =	ssyncadd.s32 $0xFFFFCE00  }
0x16a: {  	[hbm4b:s6+s3] =	stream.linear.scatter [tilespmem:s21], [sflag:$0x10], $0x1900, $0x38;
	[tilespmem:$0x1C000] =	vst v63  }
0x16b: {  	s14 =	simm.s32 $0x10;
	s10 =	rddreg [dreg:$0x12];
	s12 =	sadd.s32 s4, s8  }
0x16c: {  	[hbm4b:s12+s3] =	stream.linear.scatter [tilespmem:s10], [sflag:$0x10], $0x1900, $0x38;
	[tilespmem:$0x1C000] =	vst v63  }
0x16d: {  	_ =	swait.ge [sflag:s14], $0x1900  }
0x16e: {  	[sflag:s14] =	ssyncset.done $0x0  }
0x16f: {  	[sflag:s14] =	ssyncadd.s32 $0xFFFFE700  }
0x170: {  	_ =	swait.ge [sflag:s14], $0x1900  }
0x171: {  	s17 =	rddreg [dreg:$0x15]  }
0x172: {  	s19 =	rddreg [dreg:$0x14];
	s6 =	sadd.s32 $0x1, s17  }
0x173: {  	p0 =	sne.s32 s6, s19  }
.Ltmp1:
0x174: {  	_ = 	snop;
	(pc) =	sbr.rel @p0 .LBB2_1-.Ltmp1, $3  }
0x175: {  	_ =	sdelay $0x1  }
0x176: {  	[sflag:s14] =	ssyncset.done $0x0  }
0x177: {  	[sflag:s14] =	ssyncadd.s32 $0xFFFFE700  }
0x178: {  	_ =	sfence.sel $0x180000  }
0x179: {  	[bflag:$0x0] =	sbarrier.arrive $0xFFFF  }
0x17a: {  	_ =	strace $0x90000047  }
0x17b: {  	s0 =	stileid.u32;
	[bflag:$0x2] =	sbarrier.arrive $0xFFFF  }
0x17c: {  	p0 =	sne.s32 s0, $0x0;
	s0 =	rddreg [dreg:$0x3]  }
0x17d: {  	s0 =	sadd.s32 @!p0 $0x100000, s0  }
0x17e: {  	[sflag:s0] =	ssyncadd.tile.s32 @!p0 $0x1;
	_ =	shalt  }
.Lfunc_end2:
_tile_overlayer_lowered:
.L_overlay_start_2:
0x17f: {  	(tag) =	ssettag $0x2  }
0x180: {  	s0 =	rddreg [dreg:$0x0];
	s2 =	stileid.u32  }
0x181: {  	s1 =	rddreg [dreg:$0x1];
	p0 =	sne.s32 s2, $0x0  }
0x182: {  	s3 =	rddreg [dreg:$0x2];
	[bflag:$0x3] =	sbarrier.arrive $0xFFFF;
	s2 =	simm.s32 @!p0 $0x1C11  }
0x183: {  	[timem:s3], [sflag:s2] =	dma.local @!p0 [hbm:s0], s1  }
0x184: {  	s0 =	simm.s32 @!p0 $0x11  }
0x185: {  	_ =	swait.ge @!p0 [sflag:s0], s1  }
0x186: {  	s1 =	ssub.s32 @!p0 $0x0, s1;
	[sflag:s0] =	ssyncset.done @!p0 $0x0  }
0x187: {  	[sflag:s0] =	ssyncadd.s32 @!p0 s1  }
0x188: {  	[bflag:$0x3] =	sbarrier.arrive $0xFFFF  }
0x189: {  	_ =	shalt  }

</sc_bundles>
